<compile_context>
chip_gen: v7x
topology: tpu7x:2x2x1
jax: 0.10.2.dev20260603
libtpu: 0.0.44.dev20260713+nightly
codegen_flags: <defaults>
</compile_context>

<pallas_src>
import functools

import jax
import jax.numpy as jnp
from jax import lax
from jax.experimental import pallas as pl
from jax.experimental.pallas import tpu as pltpu
from jax.experimental.pallas import tpu_sc as plsc

N = 10000
E = 320000
D = 128

NC = 2
NS = 16
NW = NC * NS

N_PAD = 10240
RT = N_PAD // NS

C = 80
EW = E // NW
ITERS = EW // C
BLOCKS = 5
IT_B = ITERS // BLOCKS

_mesh = plsc.VectorSubcoreMesh(core_axis_name="c", subcore_axis_name="s")

_f32 = jnp.float32


def _zero_vec_ref(ref, n):
    z = jnp.zeros((16,), _f32)
    def body(i, _):
        ref[pl.ds(i * 16, 16)] = z
        return _
    lax.fori_loop(0, n // 16, body, None)


def _deg_body(dst_hbm, out_hbm, deg_sp, zbuf, ones_v, idx2d, semA, semB):
    tid = lax.axis_index("s")
    cid = lax.axis_index("c")
    wid = tid * NC + cid

    _zero_vec_ref(zbuf, RT)
    one = jnp.ones((16,), _f32)
    for i in range(C // 16):
        ones_v[pl.ds(i * 16, 16)] = one
    pltpu.sync_copy(zbuf, deg_sp.at[pl.ds(tid * RT, RT)])
    plsc.subcore_barrier()

    def scat(j, sem):
        return pltpu.async_copy(ones_v, deg_sp.at[idx2d.at[j]], sem, add=True)

    def swait(j, sem):
        pltpu.make_async_copy(ones_v, deg_sp.at[idx2d.at[j]], sem).wait()

    for blk in range(BLOCKS):
        pltpu.sync_copy(dst_hbm.at[wid, blk], idx2d)
        scat(0, semA)
        def body(i, _):
            j = 2 * i
            scat(j + 1, semB)
            swait(j, semA)
            scat(j + 2, semA)
            swait(j + 1, semB)
            return _
        lax.fori_loop(0, (IT_B - 1) // 2, body, None)
        swait(IT_B - 1, semA)

    plsc.subcore_barrier()
    pltpu.sync_copy(deg_sp.at[pl.ds(tid * RT, RT)],
                    out_hbm.at[cid, pl.ds(tid * RT, RT)])


@jax.jit
def _sc_degree(dst2d):
    return pl.kernel(
        _deg_body,
        out_type=jax.ShapeDtypeStruct((NC, N_PAD), _f32),
        mesh=_mesh,
        scratch_types=[
            pltpu.VMEM_SHARED((N_PAD,), _f32),
            pltpu.VMEM((RT,), _f32),
            pltpu.VMEM((C,), _f32),
            pltpu.VMEM((IT_B, C), jnp.int32),
            pltpu.SemaphoreType.DMA,
            pltpu.SemaphoreType.DMA,
        ],
    )(dst2d)


def _agg_body(g_hbm, src_hbm, dst_hbm, out_hbm, acc, sidx2d, didx2d,
              sidx2d2, didx2d2, rowsA, rowsB, rowsC,
              gsemA, gsemB, gsemC, ssemA, ssemB, ssemC, isemS, isemD):
    tid = lax.axis_index("s")
    cid = lax.axis_index("c")
    wid = tid * NC + cid

    def zr(r, _):
        z = jnp.zeros((16,), _f32)
        for j in range(D // 16):
            rowsA[r, pl.ds(j * 16, 16)] = z
        return _
    lax.fori_loop(0, C, zr, None)
    for k in range(RT // C):
        pltpu.sync_copy(rowsA, acc.at[pl.ds(tid * RT + k * C, C)])
    plsc.subcore_barrier()

    cur_idx = [None, None]

    def gat(j, buf, sem):
        return pltpu.async_copy(g_hbm.at[cur_idx[0].at[j]], buf, sem)

    def gwait(j, buf, sem):
        pltpu.make_async_copy(g_hbm.at[cur_idx[0].at[j]], buf, sem).wait()

    def scat(j, buf, sem):
        return pltpu.async_copy(buf, acc.at[cur_idx[1].at[j]], sem, add=True)

    def swait(j, buf, sem):
        pltpu.make_async_copy(buf, acc.at[cur_idx[1].at[j]], sem).wait()

    bufs = (rowsA, rowsB, rowsC)
    gsems = (gsemA, gsemB, gsemC)
    ssems = (ssemA, ssemB, ssemC)
    sidxs = (sidx2d, sidx2d2)
    didxs = (didx2d, didx2d2)

    def step(j, b, jm1, jp2, last):
        gwait(j, bufs[b], gsems[b])
        scat(j, bufs[b], ssems[b])
        if jm1 is not None:
            bm = (b + 2) % 3
            swait(jm1, bufs[bm], ssems[bm])
        if jp2 is not None:
            bp = (b + 2) % 3
            gat(jp2, bufs[bp], gsems[bp])
        if last:
            swait(j, bufs[b], ssems[b])

    pltpu.sync_copy(src_hbm.at[wid, 0], sidxs[0])
    pltpu.sync_copy(dst_hbm.at[wid, 0], didxs[0])
    for blk in range(BLOCKS):
        cur, nxt = blk % 2, (blk + 1) % 2
        cur_idx[0], cur_idx[1] = sidxs[cur], didxs[cur]
        gat(0, bufs[0], gsems[0])
        gat(1, bufs[1], gsems[1])
        if blk + 1 < BLOCKS:
            pltpu.async_copy(src_hbm.at[wid, blk + 1], sidxs[nxt], isemS)
            pltpu.async_copy(dst_hbm.at[wid, blk + 1], didxs[nxt], isemD)
        step(0, 0, None, 2, False)
        step(1, 1, 0, 3, False)
        step(2, 2, 1, 4, False)
        def body(i, _):
            j0 = 3 * i
            step(j0, 0, j0 - 1, j0 + 2, False)
            step(j0 + 1, 1, j0, j0 + 3, False)
            step(j0 + 2, 2, j0 + 1, j0 + 4, False)
            return _
        lax.fori_loop(1, (IT_B - 4) // 3, body, None)
        step(IT_B - 4, 0, IT_B - 5, IT_B - 2, False)
        step(IT_B - 3, 1, IT_B - 4, IT_B - 1, False)
        step(IT_B - 2, 2, IT_B - 3, None, False)
        step(IT_B - 1, 0, IT_B - 2, None, True)
        if blk + 1 < BLOCKS:
            pltpu.make_async_copy(src_hbm.at[wid, blk + 1], sidxs[nxt], isemS).wait()
            pltpu.make_async_copy(dst_hbm.at[wid, blk + 1], didxs[nxt], isemD).wait()

    plsc.subcore_barrier()
    pltpu.sync_copy(acc.at[pl.ds(tid * RT, RT)],
                    out_hbm.at[cid, pl.ds(tid * RT, RT)])


@jax.jit
def _sc_aggregate(g, src2d, dst2d):
    return pl.kernel(
        _agg_body,
        out_type=jax.ShapeDtypeStruct((NC, N_PAD, D), _f32),
        mesh=_mesh,
        scratch_types=[
            pltpu.VMEM_SHARED((N_PAD, D), _f32),
            pltpu.VMEM((IT_B, C), jnp.int32),
            pltpu.VMEM((IT_B, C), jnp.int32),
            pltpu.VMEM((IT_B, C), jnp.int32),
            pltpu.VMEM((IT_B, C), jnp.int32),
            pltpu.VMEM((C, D), _f32),
            pltpu.VMEM((C, D), _f32),
            pltpu.VMEM((C, D), _f32),
            pltpu.SemaphoreType.DMA,
            pltpu.SemaphoreType.DMA,
            pltpu.SemaphoreType.DMA,
            pltpu.SemaphoreType.DMA,
            pltpu.SemaphoreType.DMA,
            pltpu.SemaphoreType.DMA,
            pltpu.SemaphoreType.DMA,
            pltpu.SemaphoreType.DMA,
        ],
    )(g, src2d, dst2d)



_BM = 1000


def _tc1_body(x_ref, w_ref, dp_ref, g_ref, dinv_ref):
    deg = dp_ref[0] + dp_ref[1] + 1.0
    dv = lax.rsqrt(deg)
    h = jnp.dot(x_ref[...], w_ref[...], preferred_element_type=_f32)
    g_ref[...] = h * dv
    dinv_ref[...] = dv


@jax.jit
def _tc_stage1(x, W1, deg_parts):
    grid = (N // _BM,)
    return pl.pallas_call(
        _tc1_body,
        grid=grid,
        in_specs=[
            pl.BlockSpec((_BM, D), lambda i: (i, 0)),
            pl.BlockSpec((D, D), lambda i: (0, 0)),
            pl.BlockSpec((NC, _BM, 1), lambda i: (0, i, 0)),
        ],
        out_specs=[
            pl.BlockSpec((_BM, D), lambda i: (i, 0)),
            pl.BlockSpec((_BM, 1), lambda i: (i, 0)),
        ],
        out_shape=[
            jax.ShapeDtypeStruct((N, D), _f32),
            jax.ShapeDtypeStruct((N, 1), _f32),
        ],
    )(x, W1, deg_parts)


def _tc2_body(a_ref, g_ref, dinv_ref, b_ref, w_ref, out_ref):
    dv = dinv_ref[...]
    z = dv * (a_ref[0] + a_ref[1] + g_ref[...]) + b_ref[...]
    z = jnp.maximum(z, 0.0)
    out_ref[...] = jnp.dot(z, w_ref[...], preferred_element_type=_f32) * dv


@jax.jit
def _tc_stage2(agg, g1, dinv, b1, W2):
    grid = (N // _BM,)
    return pl.pallas_call(
        _tc2_body,
        grid=grid,
        in_specs=[
            pl.BlockSpec((NC, _BM, D), lambda i: (0, i, 0)),
            pl.BlockSpec((_BM, D), lambda i: (i, 0)),
            pl.BlockSpec((_BM, 1), lambda i: (i, 0)),
            pl.BlockSpec((1, D), lambda i: (0, 0)),
            pl.BlockSpec((D, D), lambda i: (0, 0)),
        ],
        out_specs=pl.BlockSpec((_BM, D), lambda i: (i, 0)),
        out_shape=jax.ShapeDtypeStruct((N, D), _f32),
    )(agg, g1, dinv, b1, W2)


def _tc3_body(a_ref, g_ref, dinv_ref, b_ref, out_ref):
    out_ref[...] = (dinv_ref[...] * (a_ref[0] + a_ref[1] + g_ref[...])
                    + b_ref[...])


@jax.jit
def _tc_stage3(agg, g2, dinv, b2):
    grid = (N // _BM,)
    return pl.pallas_call(
        _tc3_body,
        grid=grid,
        in_specs=[
            pl.BlockSpec((NC, _BM, D), lambda i: (0, i, 0)),
            pl.BlockSpec((_BM, D), lambda i: (i, 0)),
            pl.BlockSpec((_BM, 1), lambda i: (i, 0)),
            pl.BlockSpec((1, D), lambda i: (0, 0)),
        ],
        out_specs=pl.BlockSpec((_BM, D), lambda i: (i, 0)),
        out_shape=jax.ShapeDtypeStruct((N, D), _f32),
    )(agg, g2, dinv, b2)


def kernel(x, edge_index, W1, b1, W2, b2):
    src = edge_index[0].astype(jnp.int32).reshape(NW, BLOCKS, IT_B, C)
    dst = edge_index[1].astype(jnp.int32).reshape(NW, BLOCKS, IT_B, C)

    deg_parts = _sc_degree(dst).reshape(NC, N_PAD, 1)
    g1, dinv = _tc_stage1(x, W1, deg_parts)

    agg1 = _sc_aggregate(g1, src, dst)
    g2 = _tc_stage2(agg1, g1, dinv, b1.reshape(1, D), W2)

    agg2 = _sc_aggregate(g2, src, dst)
    out = _tc_stage3(agg2, g2, dinv, b2.reshape(1, D))
    return out

# --- scband reference (transcript-rebuilt; emitter-appended) ---
"""Pipeline reference for scband-gnn-5394478924400 (READ-ONLY COPY).

The authoritative reference and input builder live on the scoring server;
editing this copy changes nothing except your own understanding.
"""

import jax, jax.numpy as jnp
import numpy as np

N_NODES = 10000
N_EDGES = 320000
IN_DIM = 128
HID_DIM = 128
OUT_DIM = 128


def setup_inputs(seed: int = 0) -> dict:
    key = jax.random.key(seed)
    k1, k2, k3, k4 = jax.random.split(key, 4)
    x = jax.random.normal(k1, (N_NODES, IN_DIM), dtype=jnp.float32)
    edge_index = jax.random.randint(k2, (2, N_EDGES), 0, N_NODES, dtype=jnp.int64)
    W1 = jax.random.normal(k3, (IN_DIM, HID_DIM), dtype=jnp.float32) * (1.0 / np.sqrt(IN_DIM))
    b1 = jnp.zeros((HID_DIM,), dtype=jnp.float32)
    W2 = jax.random.normal(k4, (HID_DIM, OUT_DIM), dtype=jnp.float32) * (1.0 / np.sqrt(HID_DIM))
    b2 = jnp.zeros((OUT_DIM,), dtype=jnp.float32)
    return {"x": x, "edge_index": edge_index, "W1": W1, "b1": b1, "W2": W2, "b2": b2}


def _gcn_conv(x, edge_index, W, b):
    # PyG GCNConv: add self-loops, symmetric normalization, linear transform, scatter-add aggregate, bias
    num_nodes = x.shape[0]
    src = edge_index[0]
    dst = edge_index[1]
    loop = jnp.arange(num_nodes, dtype=src.dtype)
    src = jnp.concatenate([src, loop])
    dst = jnp.concatenate([dst, loop])
    deg = jnp.zeros((num_nodes,), dtype=x.dtype).at[dst].add(1.0)
    deg_inv_sqrt = jnp.where(deg > 0, jax.lax.rsqrt(jnp.maximum(deg, 1e-12)), 0.0)
    norm = deg_inv_sqrt[src] * deg_inv_sqrt[dst]
    h = x @ W
    msg = h[src] * norm[:, None]
    out = jnp.zeros((num_nodes, W.shape[1]), dtype=x.dtype).at[dst].add(msg)
    return out + b


def reference(x, edge_index, W1, b1, W2, b2):
    h = _gcn_conv(x, edge_index, W1, b1)
    h = jax.nn.relu(h)
    out = _gcn_conv(h, edge_index, W2, b2)
    return out

if __name__ == "__main__":
    import jax
    _d = setup_inputs()
    print(jax.jit(kernel)(*tuple(_d.values())))

</pallas_src>

<mosaic_0001>
#map = affine_map<(d0, d1) -> (0, 0, 0, 0)>
#map1 = affine_map<(d0, d1) -> (0, 0)>
module attributes {stable_mosaic.version = 14 : i64} {
  func.func @_deg_body(%arg0: i32, %arg1: i32, %arg2: memref<32x5x25x80xi32, #tpu.memory_space<hbm>>, %arg3: memref<2x10240xf32, #tpu.memory_space<hbm>>, %arg4: memref<10240xf32, #tpu.memory_space<vmem_shared>>, %arg5: memref<640xf32, #tpu.memory_space<vmem>>, %arg6: memref<80xf32, #tpu.memory_space<vmem>>, %arg7: memref<25x80xi32, #tpu.memory_space<vmem>>, %arg8: memref<!tpu.dma_semaphore, #tpu.memory_space<semaphore_mem>>, %arg9: memref<!tpu.dma_semaphore, #tpu.memory_space<semaphore_mem>>) attributes {dimension_semantics = [#tpu.dimension_semantics<core_parallel>, #tpu.dimension_semantics<subcore_parallel>], iteration_bounds = array<i64: 2, 16>, scalar_prefetch = 0 : i64, scratch_operands = 6 : i64, tpu.core_type = #tpu.core_type<sc_vector_subcore>, window_params = [{transform_indices = #map}, {transform_indices = #map1}]} {
    %mul3A = arith.constant 2 : i32
    %mul3A_0 = arith.muli %arg1, %mul3A : i32
    %add3A = arith.addi %mul3A_0, %arg0 : i32
    %broadcast_in_dim3A = arith.constant 0.000000e+00 : f32
    %broadcast_in_dim3A_1 = vector.broadcast %broadcast_in_dim3A : f32 to vector<16xf32>
    %scan3A = arith.constant 0 : i32
    %scan3A_2 = arith.constant 40 : i32
    %scan3A_3 = arith.addi %scan3A, %scan3A_2 : i32
    %scan3A_4 = arith.constant 1 : i32
    scf.for %scan3A_121 = %scan3A to %scan3A_3 step %scan3A_4  : i32 {
      %mul3A_122 = arith.constant 16 : i32
      %mul3A_123 = arith.muli %scan3A_121, %mul3A_122 : i32
      %swap3A_124 = arith.index_cast %mul3A_123 : i32 to index
      %swap3A_125 = tpu.vector_load %arg5[%swap3A_124] {strides = array<i32>} : memref<640xf32, #tpu.memory_space<vmem>>, vector<16xf32>,
      %swap3A_126 = vector.shape_cast %swap3A_125 : vector<16xf32> to vector<16xf32>
      %swap3A_127 = vector.shape_cast %broadcast_in_dim3A_1 : vector<16xf32> to vector<16xf32>
      tpu.vector_store %arg5[%swap3A_124], %swap3A_127 {strides = array<i32>} : memref<640xf32, #tpu.memory_space<vmem>>, vector<16xf32>,
    }
    %scan3A_5 = arith.constant 40 : i32
    %broadcast_in_dim3A_6 = arith.constant 1.000000e+00 : f32
    %broadcast_in_dim3A_7 = vector.broadcast %broadcast_in_dim3A_6 : f32 to vector<16xf32>
    %swap3A = arith.constant 0 : index
    %swap3A_8 = tpu.vector_load %arg6[%swap3A] {strides = array<i32>} : memref<80xf32, #tpu.memory_space<vmem>>, vector<16xf32>,
    %swap3A_9 = vector.shape_cast %swap3A_8 : vector<16xf32> to vector<16xf32>
    %swap3A_10 = vector.shape_cast %broadcast_in_dim3A_7 : vector<16xf32> to vector<16xf32>
    tpu.vector_store %arg6[%swap3A], %swap3A_10 {strides = array<i32>} : memref<80xf32, #tpu.memory_space<vmem>>, vector<16xf32>,
    %swap3A_11 = arith.constant 16 : index
    %swap3A_12 = tpu.vector_load %arg6[%swap3A_11] {strides = array<i32>} : memref<80xf32, #tpu.memory_space<vmem>>, vector<16xf32>,
    %swap3A_13 = vector.shape_cast %swap3A_12 : vector<16xf32> to vector<16xf32>
    %swap3A_14 = vector.shape_cast %broadcast_in_dim3A_7 : vector<16xf32> to vector<16xf32>
    tpu.vector_store %arg6[%swap3A_11], %swap3A_14 {strides = array<i32>} : memref<80xf32, #tpu.memory_space<vmem>>, vector<16xf32>,
    %swap3A_15 = arith.constant 32 : index
    %swap3A_16 = tpu.vector_load %arg6[%swap3A_15] {strides = array<i32>} : memref<80xf32, #tpu.memory_space<vmem>>, vector<16xf32>,
    %swap3A_17 = vector.shape_cast %swap3A_16 : vector<16xf32> to vector<16xf32>
    %swap3A_18 = vector.shape_cast %broadcast_in_dim3A_7 : vector<16xf32> to vector<16xf32>
    tpu.vector_store %arg6[%swap3A_15], %swap3A_18 {strides = array<i32>} : memref<80xf32, #tpu.memory_space<vmem>>, vector<16xf32>,
    %swap3A_19 = arith.constant 48 : index
    %swap3A_20 = tpu.vector_load %arg6[%swap3A_19] {strides = array<i32>} : memref<80xf32, #tpu.memory_space<vmem>>, vector<16xf32>,
    %swap3A_21 = vector.shape_cast %swap3A_20 : vector<16xf32> to vector<16xf32>
    %swap3A_22 = vector.shape_cast %broadcast_in_dim3A_7 : vector<16xf32> to vector<16xf32>
    tpu.vector_store %arg6[%swap3A_19], %swap3A_22 {strides = array<i32>} : memref<80xf32, #tpu.memory_space<vmem>>, vector<16xf32>,
    %swap3A_23 = arith.constant 64 : index
    %swap3A_24 = tpu.vector_load %arg6[%swap3A_23] {strides = array<i32>} : memref<80xf32, #tpu.memory_space<vmem>>, vector<16xf32>,
    %swap3A_25 = vector.shape_cast %swap3A_24 : vector<16xf32> to vector<16xf32>
    %swap3A_26 = vector.shape_cast %broadcast_in_dim3A_7 : vector<16xf32> to vector<16xf32>
    tpu.vector_store %arg6[%swap3A_23], %swap3A_26 {strides = array<i32>} : memref<80xf32, #tpu.memory_space<vmem>>, vector<16xf32>,
    %mul3A_27 = arith.constant 640 : i32
    %mul3A_28 = arith.muli %arg1, %mul3A_27 : i32
    "tpu.region"() ({
      %run_scoped3A_121 = tpu.sem_alloc : memref<!tpu.dma_semaphore, #tpu.memory_space<semaphore_mem>>
      %dma_start3A_122 = tpu.memref_slice %arg4[%mul3A_28] : memref<10240xf32, #tpu.memory_space<vmem_shared>> -> memref<640xf32, #tpu.memory_space<vmem_shared>>
      %dma_start3A_123 = tpu.memref_slice %arg4[%mul3A_28] : memref<10240xf32, #tpu.memory_space<vmem_shared>> -> memref<640xf32, #tpu.memory_space<vmem_shared>>
      tpu.enqueue_dma source(%arg5 : memref<640xf32, #tpu.memory_space<vmem>>) target(%dma_start3A_123 : memref<640xf32, #tpu.memory_space<vmem_shared>>) target_semaphore(%run_scoped3A_121 : memref<!tpu.dma_semaphore, #tpu.memory_space<semaphore_mem>>)
      %dma_wait3A_124 = tpu.memref_slice %arg4[%mul3A_28] : memref<10240xf32, #tpu.memory_space<vmem_shared>> -> memref<640xf32, #tpu.memory_space<vmem_shared>>
      %dma_wait3A_125 = tpu.memref_slice %arg4[%mul3A_28] : memref<10240xf32, #tpu.memory_space<vmem_shared>> -> memref<640xf32, #tpu.memory_space<vmem_shared>>
      tpu.wait_dma2 semaphore(%run_scoped3A_121 : memref<!tpu.dma_semaphore, #tpu.memory_space<semaphore_mem>>) src(%arg5 : memref<640xf32, #tpu.memory_space<vmem>>) dst(%dma_wait3A_125 : memref<640xf32, #tpu.memory_space<vmem_shared>>)
      tpu.yield
    }) : () -> ()
    %barrier3A = arith.constant 0 : index
    tpu.barrier barrier_id(%barrier3A)
    %run_scoped3A = arith.constant 0 : i32
    "tpu.region"() ({
      %run_scoped3A_121 = tpu.sem_alloc : memref<!tpu.dma_semaphore, #tpu.memory_space<semaphore_mem>>
      %dma_start3A_122 = arith.constant 0 : i32
      %dma_start3A_123 = arith.constant 0 : i32
      %dma_start3A_124 = tpu.memref_slice %arg2[%add3A, %run_scoped3A, %dma_start3A_122, %dma_start3A_123] : memref<32x5x25x80xi32, #tpu.memory_space<hbm>> -> memref<1x1x25x80xi32, #tpu.memory_space<hbm>>
      %dma_start3A_125 = tpu.memref_squeeze %dma_start3A_124 : memref<1x1x25x80xi32, #tpu.memory_space<hbm>> -> memref<25x80xi32, #tpu.memory_space<hbm>>
      %dma_start3A_126 = arith.constant 0 : i32
      %dma_start3A_127 = arith.constant 0 : i32
      %dma_start3A_128 = tpu.memref_slice %arg2[%add3A, %run_scoped3A, %dma_start3A_126, %dma_start3A_127] : memref<32x5x25x80xi32, #tpu.memory_space<hbm>> -> memref<1x1x25x80xi32, #tpu.memory_space<hbm>>
      %dma_start3A_129 = tpu.memref_squeeze %dma_start3A_128 : memref<1x1x25x80xi32, #tpu.memory_space<hbm>> -> memref<25x80xi32, #tpu.memory_space<hbm>>
      tpu.enqueue_dma source(%dma_start3A_129 : memref<25x80xi32, #tpu.memory_space<hbm>>) target(%arg7 : memref<25x80xi32, #tpu.memory_space<vmem>>) target_semaphore(%run_scoped3A_121 : memref<!tpu.dma_semaphore, #tpu.memory_space<semaphore_mem>>)
      %dma_wait3A_130 = arith.constant 0 : i32
      %dma_wait3A_131 = arith.constant 0 : i32
      %dma_wait3A_132 = tpu.memref_slice %arg2[%add3A, %run_scoped3A, %dma_wait3A_130, %dma_wait3A_131] : memref<32x5x25x80xi32, #tpu.memory_space<hbm>> -> memref<1x1x25x80xi32, #tpu.memory_space<hbm>>
      %dma_wait3A_133 = tpu.memref_squeeze %dma_wait3A_132 : memref<1x1x25x80xi32, #tpu.memory_space<hbm>> -> memref<25x80xi32, #tpu.memory_space<hbm>>
      %dma_wait3A_134 = arith.constant 0 : i32
      %dma_wait3A_135 = arith.constant 0 : i32
      %dma_wait3A_136 = tpu.memref_slice %arg2[%add3A, %run_scoped3A, %dma_wait3A_134, %dma_wait3A_135] : memref<32x5x25x80xi32, #tpu.memory_space<hbm>> -> memref<1x1x25x80xi32, #tpu.memory_space<hbm>>
      %dma_wait3A_137 = tpu.memref_squeeze %dma_wait3A_136 : memref<1x1x25x80xi32, #tpu.memory_space<hbm>> -> memref<25x80xi32, #tpu.memory_space<hbm>>
      tpu.wait_dma2 semaphore(%run_scoped3A_121 : memref<!tpu.dma_semaphore, #tpu.memory_space<semaphore_mem>>) src(%dma_wait3A_137 : memref<25x80xi32, #tpu.memory_space<hbm>>) dst(%arg7 : memref<25x80xi32, #tpu.memory_space<vmem>>)
      tpu.yield
    }) : () -> ()
    %dma_start3A = arith.constant 0 : i32
    %dma_start3A_29 = arith.constant 0 : i32
    %dma_start3A_30 = tpu.memref_slice %arg7[%dma_start3A, %dma_start3A_29] : memref<25x80xi32, #tpu.memory_space<vmem>> -> memref<1x80xi32, #tpu.memory_space<vmem>>
    %dma_start3A_31 = tpu.memref_squeeze %dma_start3A_30 : memref<1x80xi32, #tpu.memory_space<vmem>> -> memref<80xi32, #tpu.memory_space<vmem>>
    %dma_start3A_32 = arith.constant 0 : i32
    %dma_start3A_33 = tpu.memref_slice %arg4[%dma_start3A_32] : memref<10240xf32, #tpu.memory_space<vmem_shared>> -> memref<10240xf32, #tpu.memory_space<vmem_shared>>
    tpu.enqueue_indirect_dma source(%arg6 : memref<80xf32, #tpu.memory_space<vmem>>) target(%dma_start3A_33 : memref<10240xf32, #tpu.memory_space<vmem_shared>>) offsets(%dma_start3A_31 : memref<80xi32, #tpu.memory_space<vmem>>) semaphore(%arg8 : memref<!tpu.dma_semaphore, #tpu.memory_space<semaphore_mem>>) {add = true}
    %scan3A_34 = arith.constant 0 : i32
    %scan3A_35 = arith.constant 12 : i32
    %scan3A_36 = arith.addi %scan3A_34, %scan3A_35 : i32
    %scan3A_37 = arith.constant 1 : i32
    scf.for %scan3A_121 = %scan3A_34 to %scan3A_36 step %scan3A_37  : i32 {
      %mul3A_122 = arith.constant 2 : i32
      %mul3A_123 = arith.muli %mul3A_122, %scan3A_121 : i32
      %add3A_124 = arith.constant 1 : i32
      %add3A_125 = arith.addi %mul3A_123, %add3A_124 : i32
      %dma_start3A_126 = arith.constant 0 : i32
      %dma_start3A_127 = tpu.memref_slice %arg7[%add3A_125, %dma_start3A_126] : memref<25x80xi32, #tpu.memory_space<vmem>> -> memref<1x80xi32, #tpu.memory_space<vmem>>
      %dma_start3A_128 = tpu.memref_squeeze %dma_start3A_127 : memref<1x80xi32, #tpu.memory_space<vmem>> -> memref<80xi32, #tpu.memory_space<vmem>>
      %dma_start3A_129 = arith.constant 0 : i32
      %dma_start3A_130 = tpu.memref_slice %arg4[%dma_start3A_129] : memref<10240xf32, #tpu.memory_space<vmem_shared>> -> memref<10240xf32, #tpu.memory_space<vmem_shared>>
      tpu.enqueue_indirect_dma source(%arg6 : memref<80xf32, #tpu.memory_space<vmem>>) target(%dma_start3A_130 : memref<10240xf32, #tpu.memory_space<vmem_shared>>) offsets(%dma_start3A_128 : memref<80xi32, #tpu.memory_space<vmem>>) semaphore(%arg9 : memref<!tpu.dma_semaphore, #tpu.memory_space<semaphore_mem>>) {add = true}
      %dma_wait3A_131 = arith.constant 0 : i32
      %dma_wait3A_132 = tpu.memref_slice %arg7[%mul3A_123, %dma_wait3A_131] : memref<25x80xi32, #tpu.memory_space<vmem>> -> memref<1x80xi32, #tpu.memory_space<vmem>>
      %dma_wait3A_133 = tpu.memref_squeeze %dma_wait3A_132 : memref<1x80xi32, #tpu.memory_space<vmem>> -> memref<80xi32, #tpu.memory_space<vmem>>
      %dma_wait3A_134 = arith.constant 0 : i32
      %dma_wait3A_135 = tpu.memref_slice %arg4[%dma_wait3A_134] : memref<10240xf32, #tpu.memory_space<vmem_shared>> -> memref<10240xf32, #tpu.memory_space<vmem_shared>>
      tpu.wait_indirect_dma semaphore(%arg8 : memref<!tpu.dma_semaphore, #tpu.memory_space<semaphore_mem>>) src(%arg6 : memref<80xf32, #tpu.memory_space<vmem>>) dst(%dma_wait3A_135 : memref<10240xf32, #tpu.memory_space<vmem_shared>>)
      %add3A_136 = arith.constant 2 : i32
      %add3A_137 = arith.addi %mul3A_123, %add3A_136 : i32
      %dma_start3A_138 = arith.constant 0 : i32
      %dma_start3A_139 = tpu.memref_slice %arg7[%add3A_137, %dma_start3A_138] : memref<25x80xi32, #tpu.memory_space<vmem>> -> memref<1x80xi32, #tpu.memory_space<vmem>>
      %dma_start3A_140 = tpu.memref_squeeze %dma_start3A_139 : memref<1x80xi32, #tpu.memory_space<vmem>> -> memref<80xi32, #tpu.memory_space<vmem>>
      %dma_start3A_141 = arith.constant 0 : i32
      %dma_start3A_142 = tpu.memref_slice %arg4[%dma_start3A_141] : memref<10240xf32, #tpu.memory_space<vmem_shared>> -> memref<10240xf32, #tpu.memory_space<vmem_shared>>
      tpu.enqueue_indirect_dma source(%arg6 : memref<80xf32, #tpu.memory_space<vmem>>) target(%dma_start3A_142 : memref<10240xf32, #tpu.memory_space<vmem_shared>>) offsets(%dma_start3A_140 : memref<80xi32, #tpu.memory_space<vmem>>) semaphore(%arg8 : memref<!tpu.dma_semaphore, #tpu.memory_space<semaphore_mem>>) {add = true}
      %add3A_143 = arith.constant 1 : i32
      %add3A_144 = arith.addi %mul3A_123, %add3A_143 : i32
      %dma_wait3A_145 = arith.constant 0 : i32
      %dma_wait3A_146 = tpu.memref_slice %arg7[%add3A_144, %dma_wait3A_145] : memref<25x80xi32, #tpu.memory_space<vmem>> -> memref<1x80xi32, #tpu.memory_space<vmem>>
      %dma_wait3A_147 = tpu.memref_squeeze %dma_wait3A_146 : memref<1x80xi32, #tpu.memory_space<vmem>> -> memref<80xi32, #tpu.memory_space<vmem>>
      %dma_wait3A_148 = arith.constant 0 : i32
      %dma_wait3A_149 = tpu.memref_slice %arg4[%dma_wait3A_148] : memref<10240xf32, #tpu.memory_space<vmem_shared>> -> memref<10240xf32, #tpu.memory_space<vmem_shared>>
      tpu.wait_indirect_dma semaphore(%arg9 : memref<!tpu.dma_semaphore, #tpu.memory_space<semaphore_mem>>) src(%arg6 : memref<80xf32, #tpu.memory_space<vmem>>) dst(%dma_wait3A_149 : memref<10240xf32, #tpu.memory_space<vmem_shared>>)
    }
    %scan3A_38 = arith.constant 12 : i32
    %dma_wait3A = arith.constant 24 : i32
    %dma_wait3A_39 = arith.constant 0 : i32
    %dma_wait3A_40 = tpu.memref_slice %arg7[%dma_wait3A, %dma_wait3A_39] : memref<25x80xi32, #tpu.memory_space<vmem>> -> memref<1x80xi32, #tpu.memory_space<vmem>>
    %dma_wait3A_41 = tpu.memref_squeeze %dma_wait3A_40 : memref<1x80xi32, #tpu.memory_space<vmem>> -> memref<80xi32, #tpu.memory_space<vmem>>
    %dma_wait3A_42 = arith.constant 0 : i32
    %dma_wait3A_43 = tpu.memref_slice %arg4[%dma_wait3A_42] : memref<10240xf32, #tpu.memory_space<vmem_shared>> -> memref<10240xf32, #tpu.memory_space<vmem_shared>>
    tpu.wait_indirect_dma semaphore(%arg8 : memref<!tpu.dma_semaphore, #tpu.memory_space<semaphore_mem>>) src(%arg6 : memref<80xf32, #tpu.memory_space<vmem>>) dst(%dma_wait3A_43 : memref<10240xf32, #tpu.memory_space<vmem_shared>>)
    %run_scoped3A_44 = arith.constant 1 : i32
    "tpu.region"() ({
      %run_scoped3A_121 = tpu.sem_alloc : memref<!tpu.dma_semaphore, #tpu.memory_space<semaphore_mem>>
      %dma_start3A_122 = arith.constant 0 : i32
      %dma_start3A_123 = arith.constant 0 : i32
      %dma_start3A_124 = tpu.memref_slice %arg2[%add3A, %run_scoped3A_44, %dma_start3A_122, %dma_start3A_123] : memref<32x5x25x80xi32, #tpu.memory_space<hbm>> -> memref<1x1x25x80xi32, #tpu.memory_space<hbm>>
      %dma_start3A_125 = tpu.memref_squeeze %dma_start3A_124 : memref<1x1x25x80xi32, #tpu.memory_space<hbm>> -> memref<25x80xi32, #tpu.memory_space<hbm>>
      %dma_start3A_126 = arith.constant 0 : i32
      %dma_start3A_127 = arith.constant 0 : i32
      %dma_start3A_128 = tpu.memref_slice %arg2[%add3A, %run_scoped3A_44, %dma_start3A_126, %dma_start3A_127] : memref<32x5x25x80xi32, #tpu.memory_space<hbm>> -> memref<1x1x25x80xi32, #tpu.memory_space<hbm>>
      %dma_start3A_129 = tpu.memref_squeeze %dma_start3A_128 : memref<1x1x25x80xi32, #tpu.memory_space<hbm>> -> memref<25x80xi32, #tpu.memory_space<hbm>>
      tpu.enqueue_dma source(%dma_start3A_129 : memref<25x80xi32, #tpu.memory_space<hbm>>) target(%arg7 : memref<25x80xi32, #tpu.memory_space<vmem>>) target_semaphore(%run_scoped3A_121 : memref<!tpu.dma_semaphore, #tpu.memory_space<semaphore_mem>>)
      %dma_wait3A_130 = arith.constant 0 : i32
      %dma_wait3A_131 = arith.constant 0 : i32
      %dma_wait3A_132 = tpu.memref_slice %arg2[%add3A, %run_scoped3A_44, %dma_wait3A_130, %dma_wait3A_131] : memref<32x5x25x80xi32, #tpu.memory_space<hbm>> -> memref<1x1x25x80xi32, #tpu.memory_space<hbm>>
      %dma_wait3A_133 = tpu.memref_squeeze %dma_wait3A_132 : memref<1x1x25x80xi32, #tpu.memory_space<hbm>> -> memref<25x80xi32, #tpu.memory_space<hbm>>
      %dma_wait3A_134 = arith.constant 0 : i32
      %dma_wait3A_135 = arith.constant 0 : i32
      %dma_wait3A_136 = tpu.memref_slice %arg2[%add3A, %run_scoped3A_44, %dma_wait3A_134, %dma_wait3A_135] : memref<32x5x25x80xi32, #tpu.memory_space<hbm>> -> memref<1x1x25x80xi32, #tpu.memory_space<hbm>>
      %dma_wait3A_137 = tpu.memref_squeeze %dma_wait3A_136 : memref<1x1x25x80xi32, #tpu.memory_space<hbm>> -> memref<25x80xi32, #tpu.memory_space<hbm>>
      tpu.wait_dma2 semaphore(%run_scoped3A_121 : memref<!tpu.dma_semaphore, #tpu.memory_space<semaphore_mem>>) src(%dma_wait3A_137 : memref<25x80xi32, #tpu.memory_space<hbm>>) dst(%arg7 : memref<25x80xi32, #tpu.memory_space<vmem>>)
      tpu.yield
    }) : () -> ()
    %dma_start3A_45 = arith.constant 0 : i32
    %dma_start3A_46 = arith.constant 0 : i32
    %dma_start3A_47 = tpu.memref_slice %arg7[%dma_start3A_45, %dma_start3A_46] : memref<25x80xi32, #tpu.memory_space<vmem>> -> memref<1x80xi32, #tpu.memory_space<vmem>>
    %dma_start3A_48 = tpu.memref_squeeze %dma_start3A_47 : memref<1x80xi32, #tpu.memory_space<vmem>> -> memref<80xi32, #tpu.memory_space<vmem>>
    %dma_start3A_49 = arith.constant 0 : i32
    %dma_start3A_50 = tpu.memref_slice %arg4[%dma_start3A_49] : memref<10240xf32, #tpu.memory_space<vmem_shared>> -> memref<10240xf32, #tpu.memory_space<vmem_shared>>
    tpu.enqueue_indirect_dma source(%arg6 : memref<80xf32, #tpu.memory_space<vmem>>) target(%dma_start3A_50 : memref<10240xf32, #tpu.memory_space<vmem_shared>>) offsets(%dma_start3A_48 : memref<80xi32, #tpu.memory_space<vmem>>) semaphore(%arg8 : memref<!tpu.dma_semaphore, #tpu.memory_space<semaphore_mem>>) {add = true}
    %scan3A_51 = arith.constant 0 : i32
    %scan3A_52 = arith.constant 12 : i32
    %scan3A_53 = arith.addi %scan3A_51, %scan3A_52 : i32
    %scan3A_54 = arith.constant 1 : i32
    scf.for %scan3A_121 = %scan3A_51 to %scan3A_53 step %scan3A_54  : i32 {
      %mul3A_122 = arith.constant 2 : i32
      %mul3A_123 = arith.muli %mul3A_122, %scan3A_121 : i32
      %add3A_124 = arith.constant 1 : i32
      %add3A_125 = arith.addi %mul3A_123, %add3A_124 : i32
      %dma_start3A_126 = arith.constant 0 : i32
      %dma_start3A_127 = tpu.memref_slice %arg7[%add3A_125, %dma_start3A_126] : memref<25x80xi32, #tpu.memory_space<vmem>> -> memref<1x80xi32, #tpu.memory_space<vmem>>
      %dma_start3A_128 = tpu.memref_squeeze %dma_start3A_127 : memref<1x80xi32, #tpu.memory_space<vmem>> -> memref<80xi32, #tpu.memory_space<vmem>>
      %dma_start3A_129 = arith.constant 0 : i32
      %dma_start3A_130 = tpu.memref_slice %arg4[%dma_start3A_129] : memref<10240xf32, #tpu.memory_space<vmem_shared>> -> memref<10240xf32, #tpu.memory_space<vmem_shared>>
      tpu.enqueue_indirect_dma source(%arg6 : memref<80xf32, #tpu.memory_space<vmem>>) target(%dma_start3A_130 : memref<10240xf32, #tpu.memory_space<vmem_shared>>) offsets(%dma_start3A_128 : memref<80xi32, #tpu.memory_space<vmem>>) semaphore(%arg9 : memref<!tpu.dma_semaphore, #tpu.memory_space<semaphore_mem>>) {add = true}
      %dma_wait3A_131 = arith.constant 0 : i32
      %dma_wait3A_132 = tpu.memref_slice %arg7[%mul3A_123, %dma_wait3A_131] : memref<25x80xi32, #tpu.memory_space<vmem>> -> memref<1x80xi32, #tpu.memory_space<vmem>>
      %dma_wait3A_133 = tpu.memref_squeeze %dma_wait3A_132 : memref<1x80xi32, #tpu.memory_space<vmem>> -> memref<80xi32, #tpu.memory_space<vmem>>
      %dma_wait3A_134 = arith.constant 0 : i32
      %dma_wait3A_135 = tpu.memref_slice %arg4[%dma_wait3A_134] : memref<10240xf32, #tpu.memory_space<vmem_shared>> -> memref<10240xf32, #tpu.memory_space<vmem_shared>>
      tpu.wait_indirect_dma semaphore(%arg8 : memref<!tpu.dma_semaphore, #tpu.memory_space<semaphore_mem>>) src(%arg6 : memref<80xf32, #tpu.memory_space<vmem>>) dst(%dma_wait3A_135 : memref<10240xf32, #tpu.memory_space<vmem_shared>>)
      %add3A_136 = arith.constant 2 : i32
      %add3A_137 = arith.addi %mul3A_123, %add3A_136 : i32
      %dma_start3A_138 = arith.constant 0 : i32
      %dma_start3A_139 = tpu.memref_slice %arg7[%add3A_137, %dma_start3A_138] : memref<25x80xi32, #tpu.memory_space<vmem>> -> memref<1x80xi32, #tpu.memory_space<vmem>>
      %dma_start3A_140 = tpu.memref_squeeze %dma_start3A_139 : memref<1x80xi32, #tpu.memory_space<vmem>> -> memref<80xi32, #tpu.memory_space<vmem>>
      %dma_start3A_141 = arith.constant 0 : i32
      %dma_start3A_142 = tpu.memref_slice %arg4[%dma_start3A_141] : memref<10240xf32, #tpu.memory_space<vmem_shared>> -> memref<10240xf32, #tpu.memory_space<vmem_shared>>
      tpu.enqueue_indirect_dma source(%arg6 : memref<80xf32, #tpu.memory_space<vmem>>) target(%dma_start3A_142 : memref<10240xf32, #tpu.memory_space<vmem_shared>>) offsets(%dma_start3A_140 : memref<80xi32, #tpu.memory_space<vmem>>) semaphore(%arg8 : memref<!tpu.dma_semaphore, #tpu.memory_space<semaphore_mem>>) {add = true}
      %add3A_143 = arith.constant 1 : i32
      %add3A_144 = arith.addi %mul3A_123, %add3A_143 : i32
      %dma_wait3A_145 = arith.constant 0 : i32
      %dma_wait3A_146 = tpu.memref_slice %arg7[%add3A_144, %dma_wait3A_145] : memref<25x80xi32, #tpu.memory_space<vmem>> -> memref<1x80xi32, #tpu.memory_space<vmem>>
      %dma_wait3A_147 = tpu.memref_squeeze %dma_wait3A_146 : memref<1x80xi32, #tpu.memory_space<vmem>> -> memref<80xi32, #tpu.memory_space<vmem>>
      %dma_wait3A_148 = arith.constant 0 : i32
      %dma_wait3A_149 = tpu.memref_slice %arg4[%dma_wait3A_148] : memref<10240xf32, #tpu.memory_space<vmem_shared>> -> memref<10240xf32, #tpu.memory_space<vmem_shared>>
      tpu.wait_indirect_dma semaphore(%arg9 : memref<!tpu.dma_semaphore, #tpu.memory_space<semaphore_mem>>) src(%arg6 : memref<80xf32, #tpu.memory_space<vmem>>) dst(%dma_wait3A_149 : memref<10240xf32, #tpu.memory_space<vmem_shared>>)
    }
    %scan3A_55 = arith.constant 12 : i32
    %dma_wait3A_56 = arith.constant 24 : i32
    %dma_wait3A_57 = arith.constant 0 : i32
    %dma_wait3A_58 = tpu.memref_slice %arg7[%dma_wait3A_56, %dma_wait3A_57] : memref<25x80xi32, #tpu.memory_space<vmem>> -> memref<1x80xi32, #tpu.memory_space<vmem>>
    %dma_wait3A_59 = tpu.memref_squeeze %dma_wait3A_58 : memref<1x80xi32, #tpu.memory_space<vmem>> -> memref<80xi32, #tpu.memory_space<vmem>>
    %dma_wait3A_60 = arith.constant 0 : i32
    %dma_wait3A_61 = tpu.memref_slice %arg4[%dma_wait3A_60] : memref<10240xf32, #tpu.memory_space<vmem_shared>> -> memref<10240xf32, #tpu.memory_space<vmem_shared>>
    tpu.wait_indirect_dma semaphore(%arg8 : memref<!tpu.dma_semaphore, #tpu.memory_space<semaphore_mem>>) src(%arg6 : memref<80xf32, #tpu.memory_space<vmem>>) dst(%dma_wait3A_61 : memref<10240xf32, #tpu.memory_space<vmem_shared>>)
    %run_scoped3A_62 = arith.constant 2 : i32
    "tpu.region"() ({
      %run_scoped3A_121 = tpu.sem_alloc : memref<!tpu.dma_semaphore, #tpu.memory_space<semaphore_mem>>
      %dma_start3A_122 = arith.constant 0 : i32
      %dma_start3A_123 = arith.constant 0 : i32
      %dma_start3A_124 = tpu.memref_slice %arg2[%add3A, %run_scoped3A_62, %dma_start3A_122, %dma_start3A_123] : memref<32x5x25x80xi32, #tpu.memory_space<hbm>> -> memref<1x1x25x80xi32, #tpu.memory_space<hbm>>
      %dma_start3A_125 = tpu.memref_squeeze %dma_start3A_124 : memref<1x1x25x80xi32, #tpu.memory_space<hbm>> -> memref<25x80xi32, #tpu.memory_space<hbm>>
      %dma_start3A_126 = arith.constant 0 : i32
      %dma_start3A_127 = arith.constant 0 : i32
      %dma_start3A_128 = tpu.memref_slice %arg2[%add3A, %run_scoped3A_62, %dma_start3A_126, %dma_start3A_127] : memref<32x5x25x80xi32, #tpu.memory_space<hbm>> -> memref<1x1x25x80xi32, #tpu.memory_space<hbm>>
      %dma_start3A_129 = tpu.memref_squeeze %dma_start3A_128 : memref<1x1x25x80xi32, #tpu.memory_space<hbm>> -> memref<25x80xi32, #tpu.memory_space<hbm>>
      tpu.enqueue_dma source(%dma_start3A_129 : memref<25x80xi32, #tpu.memory_space<hbm>>) target(%arg7 : memref<25x80xi32, #tpu.memory_space<vmem>>) target_semaphore(%run_scoped3A_121 : memref<!tpu.dma_semaphore, #tpu.memory_space<semaphore_mem>>)
      %dma_wait3A_130 = arith.constant 0 : i32
      %dma_wait3A_131 = arith.constant 0 : i32
      %dma_wait3A_132 = tpu.memref_slice %arg2[%add3A, %run_scoped3A_62, %dma_wait3A_130, %dma_wait3A_131] : memref<32x5x25x80xi32, #tpu.memory_space<hbm>> -> memref<1x1x25x80xi32, #tpu.memory_space<hbm>>
      %dma_wait3A_133 = tpu.memref_squeeze %dma_wait3A_132 : memref<1x1x25x80xi32, #tpu.memory_space<hbm>> -> memref<25x80xi32, #tpu.memory_space<hbm>>
      %dma_wait3A_134 = arith.constant 0 : i32
      %dma_wait3A_135 = arith.constant 0 : i32
      %dma_wait3A_136 = tpu.memref_slice %arg2[%add3A, %run_scoped3A_62, %dma_wait3A_134, %dma_wait3A_135] : memref<32x5x25x80xi32, #tpu.memory_space<hbm>> -> memref<1x1x25x80xi32, #tpu.memory_space<hbm>>
      %dma_wait3A_137 = tpu.memref_squeeze %dma_wait3A_136 : memref<1x1x25x80xi32, #tpu.memory_space<hbm>> -> memref<25x80xi32, #tpu.memory_space<hbm>>
      tpu.wait_dma2 semaphore(%run_scoped3A_121 : memref<!tpu.dma_semaphore, #tpu.memory_space<semaphore_mem>>) src(%dma_wait3A_137 : memref<25x80xi32, #tpu.memory_space<hbm>>) dst(%arg7 : memref<25x80xi32, #tpu.memory_space<vmem>>)
      tpu.yield
    }) : () -> ()
    %dma_start3A_63 = arith.constant 0 : i32
    %dma_start3A_64 = arith.constant 0 : i32
    %dma_start3A_65 = tpu.memref_slice %arg7[%dma_start3A_63, %dma_start3A_64] : memref<25x80xi32, #tpu.memory_space<vmem>> -> memref<1x80xi32, #tpu.memory_space<vmem>>
    %dma_start3A_66 = tpu.memref_squeeze %dma_start3A_65 : memref<1x80xi32, #tpu.memory_space<vmem>> -> memref<80xi32, #tpu.memory_space<vmem>>
    %dma_start3A_67 = arith.constant 0 : i32
    %dma_start3A_68 = tpu.memref_slice %arg4[%dma_start3A_67] : memref<10240xf32, #tpu.memory_space<vmem_shared>> -> memref<10240xf32, #tpu.memory_space<vmem_shared>>
    tpu.enqueue_indirect_dma source(%arg6 : memref<80xf32, #tpu.memory_space<vmem>>) target(%dma_start3A_68 : memref<10240xf32, #tpu.memory_space<vmem_shared>>) offsets(%dma_start3A_66 : memref<80xi32, #tpu.memory_space<vmem>>) semaphore(%arg8 : memref<!tpu.dma_semaphore, #tpu.memory_space<semaphore_mem>>) {add = true}
    %scan3A_69 = arith.constant 0 : i32
    %scan3A_70 = arith.constant 12 : i32
    %scan3A_71 = arith.addi %scan3A_69, %scan3A_70 : i32
    %scan3A_72 = arith.constant 1 : i32
    scf.for %scan3A_121 = %scan3A_69 to %scan3A_71 step %scan3A_72  : i32 {
      %mul3A_122 = arith.constant 2 : i32
      %mul3A_123 = arith.muli %mul3A_122, %scan3A_121 : i32
      %add3A_124 = arith.constant 1 : i32
      %add3A_125 = arith.addi %mul3A_123, %add3A_124 : i32
      %dma_start3A_126 = arith.constant 0 : i32
      %dma_start3A_127 = tpu.memref_slice %arg7[%add3A_125, %dma_start3A_126] : memref<25x80xi32, #tpu.memory_space<vmem>> -> memref<1x80xi32, #tpu.memory_space<vmem>>
      %dma_start3A_128 = tpu.memref_squeeze %dma_start3A_127 : memref<1x80xi32, #tpu.memory_space<vmem>> -> memref<80xi32, #tpu.memory_space<vmem>>
      %dma_start3A_129 = arith.constant 0 : i32
      %dma_start3A_130 = tpu.memref_slice %arg4[%dma_start3A_129] : memref<10240xf32, #tpu.memory_space<vmem_shared>> -> memref<10240xf32, #tpu.memory_space<vmem_shared>>
      tpu.enqueue_indirect_dma source(%arg6 : memref<80xf32, #tpu.memory_space<vmem>>) target(%dma_start3A_130 : memref<10240xf32, #tpu.memory_space<vmem_shared>>) offsets(%dma_start3A_128 : memref<80xi32, #tpu.memory_space<vmem>>) semaphore(%arg9 : memref<!tpu.dma_semaphore, #tpu.memory_space<semaphore_mem>>) {add = true}
      %dma_wait3A_131 = arith.constant 0 : i32
      %dma_wait3A_132 = tpu.memref_slice %arg7[%mul3A_123, %dma_wait3A_131] : memref<25x80xi32, #tpu.memory_space<vmem>> -> memref<1x80xi32, #tpu.memory_space<vmem>>
      %dma_wait3A_133 = tpu.memref_squeeze %dma_wait3A_132 : memref<1x80xi32, #tpu.memory_space<vmem>> -> memref<80xi32, #tpu.memory_space<vmem>>
      %dma_wait3A_134 = arith.constant 0 : i32
      %dma_wait3A_135 = tpu.memref_slice %arg4[%dma_wait3A_134] : memref<10240xf32, #tpu.memory_space<vmem_shared>> -> memref<10240xf32, #tpu.memory_space<vmem_shared>>
      tpu.wait_indirect_dma semaphore(%arg8 : memref<!tpu.dma_semaphore, #tpu.memory_space<semaphore_mem>>) src(%arg6 : memref<80xf32, #tpu.memory_space<vmem>>) dst(%dma_wait3A_135 : memref<10240xf32, #tpu.memory_space<vmem_shared>>)
      %add3A_136 = arith.constant 2 : i32
      %add3A_137 = arith.addi %mul3A_123, %add3A_136 : i32
      %dma_start3A_138 = arith.constant 0 : i32
      %dma_start3A_139 = tpu.memref_slice %arg7[%add3A_137, %dma_start3A_138] : memref<25x80xi32, #tpu.memory_space<vmem>> -> memref<1x80xi32, #tpu.memory_space<vmem>>
      %dma_start3A_140 = tpu.memref_squeeze %dma_start3A_139 : memref<1x80xi32, #tpu.memory_space<vmem>> -> memref<80xi32, #tpu.memory_space<vmem>>
      %dma_start3A_141 = arith.constant 0 : i32
      %dma_start3A_142 = tpu.memref_slice %arg4[%dma_start3A_141] : memref<10240xf32, #tpu.memory_space<vmem_shared>> -> memref<10240xf32, #tpu.memory_space<vmem_shared>>
      tpu.enqueue_indirect_dma source(%arg6 : memref<80xf32, #tpu.memory_space<vmem>>) target(%dma_start3A_142 : memref<10240xf32, #tpu.memory_space<vmem_shared>>) offsets(%dma_start3A_140 : memref<80xi32, #tpu.memory_space<vmem>>) semaphore(%arg8 : memref<!tpu.dma_semaphore, #tpu.memory_space<semaphore_mem>>) {add = true}
      %add3A_143 = arith.constant 1 : i32
      %add3A_144 = arith.addi %mul3A_123, %add3A_143 : i32
      %dma_wait3A_145 = arith.constant 0 : i32
      %dma_wait3A_146 = tpu.memref_slice %arg7[%add3A_144, %dma_wait3A_145] : memref<25x80xi32, #tpu.memory_space<vmem>> -> memref<1x80xi32, #tpu.memory_space<vmem>>
      %dma_wait3A_147 = tpu.memref_squeeze %dma_wait3A_146 : memref<1x80xi32, #tpu.memory_space<vmem>> -> memref<80xi32, #tpu.memory_space<vmem>>
      %dma_wait3A_148 = arith.constant 0 : i32
      %dma_wait3A_149 = tpu.memref_slice %arg4[%dma_wait3A_148] : memref<10240xf32, #tpu.memory_space<vmem_shared>> -> memref<10240xf32, #tpu.memory_space<vmem_shared>>
      tpu.wait_indirect_dma semaphore(%arg9 : memref<!tpu.dma_semaphore, #tpu.memory_space<semaphore_mem>>) src(%arg6 : memref<80xf32, #tpu.memory_space<vmem>>) dst(%dma_wait3A_149 : memref<10240xf32, #tpu.memory_space<vmem_shared>>)
    }
    %scan3A_73 = arith.constant 12 : i32
    %dma_wait3A_74 = arith.constant 24 : i32
    %dma_wait3A_75 = arith.constant 0 : i32
    %dma_wait3A_76 = tpu.memref_slice %arg7[%dma_wait3A_74, %dma_wait3A_75] : memref<25x80xi32, #tpu.memory_space<vmem>> -> memref<1x80xi32, #tpu.memory_space<vmem>>
    %dma_wait3A_77 = tpu.memref_squeeze %dma_wait3A_76 : memref<1x80xi32, #tpu.memory_space<vmem>> -> memref<80xi32, #tpu.memory_space<vmem>>
    %dma_wait3A_78 = arith.constant 0 : i32
    %dma_wait3A_79 = tpu.memref_slice %arg4[%dma_wait3A_78] : memref<10240xf32, #tpu.memory_space<vmem_shared>> -> memref<10240xf32, #tpu.memory_space<vmem_shared>>
    tpu.wait_indirect_dma semaphore(%arg8 : memref<!tpu.dma_semaphore, #tpu.memory_space<semaphore_mem>>) src(%arg6 : memref<80xf32, #tpu.memory_space<vmem>>) dst(%dma_wait3A_79 : memref<10240xf32, #tpu.memory_space<vmem_shared>>)
    %run_scoped3A_80 = arith.constant 3 : i32
    "tpu.region"() ({
      %run_scoped3A_121 = tpu.sem_alloc : memref<!tpu.dma_semaphore, #tpu.memory_space<semaphore_mem>>
      %dma_start3A_122 = arith.constant 0 : i32
      %dma_start3A_123 = arith.constant 0 : i32
      %dma_start3A_124 = tpu.memref_slice %arg2[%add3A, %run_scoped3A_80, %dma_start3A_122, %dma_start3A_123] : memref<32x5x25x80xi32, #tpu.memory_space<hbm>> -> memref<1x1x25x80xi32, #tpu.memory_space<hbm>>
      %dma_start3A_125 = tpu.memref_squeeze %dma_start3A_124 : memref<1x1x25x80xi32, #tpu.memory_space<hbm>> -> memref<25x80xi32, #tpu.memory_space<hbm>>
      %dma_start3A_126 = arith.constant 0 : i32
      %dma_start3A_127 = arith.constant 0 : i32
      %dma_start3A_128 = tpu.memref_slice %arg2[%add3A, %run_scoped3A_80, %dma_start3A_126, %dma_start3A_127] : memref<32x5x25x80xi32, #tpu.memory_space<hbm>> -> memref<1x1x25x80xi32, #tpu.memory_space<hbm>>
      %dma_start3A_129 = tpu.memref_squeeze %dma_start3A_128 : memref<1x1x25x80xi32, #tpu.memory_space<hbm>> -> memref<25x80xi32, #tpu.memory_space<hbm>>
      tpu.enqueue_dma source(%dma_start3A_129 : memref<25x80xi32, #tpu.memory_space<hbm>>) target(%arg7 : memref<25x80xi32, #tpu.memory_space<vmem>>) target_semaphore(%run_scoped3A_121 : memref<!tpu.dma_semaphore, #tpu.memory_space<semaphore_mem>>)
      %dma_wait3A_130 = arith.constant 0 : i32
      %dma_wait3A_131 = arith.constant 0 : i32
      %dma_wait3A_132 = tpu.memref_slice %arg2[%add3A, %run_scoped3A_80, %dma_wait3A_130, %dma_wait3A_131] : memref<32x5x25x80xi32, #tpu.memory_space<hbm>> -> memref<1x1x25x80xi32, #tpu.memory_space<hbm>>
      %dma_wait3A_133 = tpu.memref_squeeze %dma_wait3A_132 : memref<1x1x25x80xi32, #tpu.memory_space<hbm>> -> memref<25x80xi32, #tpu.memory_space<hbm>>
      %dma_wait3A_134 = arith.constant 0 : i32
      %dma_wait3A_135 = arith.constant 0 : i32
      %dma_wait3A_136 = tpu.memref_slice %arg2[%add3A, %run_scoped3A_80, %dma_wait3A_134, %dma_wait3A_135] : memref<32x5x25x80xi32, #tpu.memory_space<hbm>> -> memref<1x1x25x80xi32, #tpu.memory_space<hbm>>
      %dma_wait3A_137 = tpu.memref_squeeze %dma_wait3A_136 : memref<1x1x25x80xi32, #tpu.memory_space<hbm>> -> memref<25x80xi32, #tpu.memory_space<hbm>>
      tpu.wait_dma2 semaphore(%run_scoped3A_121 : memref<!tpu.dma_semaphore, #tpu.memory_space<semaphore_mem>>) src(%dma_wait3A_137 : memref<25x80xi32, #tpu.memory_space<hbm>>) dst(%arg7 : memref<25x80xi32, #tpu.memory_space<vmem>>)
      tpu.yield
    }) : () -> ()
    %dma_start3A_81 = arith.constant 0 : i32
    %dma_start3A_82 = arith.constant 0 : i32
    %dma_start3A_83 = tpu.memref_slice %arg7[%dma_start3A_81, %dma_start3A_82] : memref<25x80xi32, #tpu.memory_space<vmem>> -> memref<1x80xi32, #tpu.memory_space<vmem>>
    %dma_start3A_84 = tpu.memref_squeeze %dma_start3A_83 : memref<1x80xi32, #tpu.memory_space<vmem>> -> memref<80xi32, #tpu.memory_space<vmem>>
    %dma_start3A_85 = arith.constant 0 : i32
    %dma_start3A_86 = tpu.memref_slice %arg4[%dma_start3A_85] : memref<10240xf32, #tpu.memory_space<vmem_shared>> -> memref<10240xf32, #tpu.memory_space<vmem_shared>>
    tpu.enqueue_indirect_dma source(%arg6 : memref<80xf32, #tpu.memory_space<vmem>>) target(%dma_start3A_86 : memref<10240xf32, #tpu.memory_space<vmem_shared>>) offsets(%dma_start3A_84 : memref<80xi32, #tpu.memory_space<vmem>>) semaphore(%arg8 : memref<!tpu.dma_semaphore, #tpu.memory_space<semaphore_mem>>) {add = true}
    %scan3A_87 = arith.constant 0 : i32
    %scan3A_88 = arith.constant 12 : i32
    %scan3A_89 = arith.addi %scan3A_87, %scan3A_88 : i32
    %scan3A_90 = arith.constant 1 : i32
    scf.for %scan3A_121 = %scan3A_87 to %scan3A_89 step %scan3A_90  : i32 {
      %mul3A_122 = arith.constant 2 : i32
      %mul3A_123 = arith.muli %mul3A_122, %scan3A_121 : i32
      %add3A_124 = arith.constant 1 : i32
      %add3A_125 = arith.addi %mul3A_123, %add3A_124 : i32
      %dma_start3A_126 = arith.constant 0 : i32
      %dma_start3A_127 = tpu.memref_slice %arg7[%add3A_125, %dma_start3A_126] : memref<25x80xi32, #tpu.memory_space<vmem>> -> memref<1x80xi32, #tpu.memory_space<vmem>>
      %dma_start3A_128 = tpu.memref_squeeze %dma_start3A_127 : memref<1x80xi32, #tpu.memory_space<vmem>> -> memref<80xi32, #tpu.memory_space<vmem>>
      %dma_start3A_129 = arith.constant 0 : i32
      %dma_start3A_130 = tpu.memref_slice %arg4[%dma_start3A_129] : memref<10240xf32, #tpu.memory_space<vmem_shared>> -> memref<10240xf32, #tpu.memory_space<vmem_shared>>
      tpu.enqueue_indirect_dma source(%arg6 : memref<80xf32, #tpu.memory_space<vmem>>) target(%dma_start3A_130 : memref<10240xf32, #tpu.memory_space<vmem_shared>>) offsets(%dma_start3A_128 : memref<80xi32, #tpu.memory_space<vmem>>) semaphore(%arg9 : memref<!tpu.dma_semaphore, #tpu.memory_space<semaphore_mem>>) {add = true}
      %dma_wait3A_131 = arith.constant 0 : i32
      %dma_wait3A_132 = tpu.memref_slice %arg7[%mul3A_123, %dma_wait3A_131] : memref<25x80xi32, #tpu.memory_space<vmem>> -> memref<1x80xi32, #tpu.memory_space<vmem>>
      %dma_wait3A_133 = tpu.memref_squeeze %dma_wait3A_132 : memref<1x80xi32, #tpu.memory_space<vmem>> -> memref<80xi32, #tpu.memory_space<vmem>>
      %dma_wait3A_134 = arith.constant 0 : i32
      %dma_wait3A_135 = tpu.memref_slice %arg4[%dma_wait3A_134] : memref<10240xf32, #tpu.memory_space<vmem_shared>> -> memref<10240xf32, #tpu.memory_space<vmem_shared>>
      tpu.wait_indirect_dma semaphore(%arg8 : memref<!tpu.dma_semaphore, #tpu.memory_space<semaphore_mem>>) src(%arg6 : memref<80xf32, #tpu.memory_space<vmem>>) dst(%dma_wait3A_135 : memref<10240xf32, #tpu.memory_space<vmem_shared>>)
      %add3A_136 = arith.constant 2 : i32
      %add3A_137 = arith.addi %mul3A_123, %add3A_136 : i32
      %dma_start3A_138 = arith.constant 0 : i32
      %dma_start3A_139 = tpu.memref_slice %arg7[%add3A_137, %dma_start3A_138] : memref<25x80xi32, #tpu.memory_space<vmem>> -> memref<1x80xi32, #tpu.memory_space<vmem>>
      %dma_start3A_140 = tpu.memref_squeeze %dma_start3A_139 : memref<1x80xi32, #tpu.memory_space<vmem>> -> memref<80xi32, #tpu.memory_space<vmem>>
      %dma_start3A_141 = arith.constant 0 : i32
      %dma_start3A_142 = tpu.memref_slice %arg4[%dma_start3A_141] : memref<10240xf32, #tpu.memory_space<vmem_shared>> -> memref<10240xf32, #tpu.memory_space<vmem_shared>>
      tpu.enqueue_indirect_dma source(%arg6 : memref<80xf32, #tpu.memory_space<vmem>>) target(%dma_start3A_142 : memref<10240xf32, #tpu.memory_space<vmem_shared>>) offsets(%dma_start3A_140 : memref<80xi32, #tpu.memory_space<vmem>>) semaphore(%arg8 : memref<!tpu.dma_semaphore, #tpu.memory_space<semaphore_mem>>) {add = true}
      %add3A_143 = arith.constant 1 : i32
      %add3A_144 = arith.addi %mul3A_123, %add3A_143 : i32
      %dma_wait3A_145 = arith.constant 0 : i32
      %dma_wait3A_146 = tpu.memref_slice %arg7[%add3A_144, %dma_wait3A_145] : memref<25x80xi32, #tpu.memory_space<vmem>> -> memref<1x80xi32, #tpu.memory_space<vmem>>
      %dma_wait3A_147 = tpu.memref_squeeze %dma_wait3A_146 : memref<1x80xi32, #tpu.memory_space<vmem>> -> memref<80xi32, #tpu.memory_space<vmem>>
      %dma_wait3A_148 = arith.constant 0 : i32
      %dma_wait3A_149 = tpu.memref_slice %arg4[%dma_wait3A_148] : memref<10240xf32, #tpu.memory_space<vmem_shared>> -> memref<10240xf32, #tpu.memory_space<vmem_shared>>
      tpu.wait_indirect_dma semaphore(%arg9 : memref<!tpu.dma_semaphore, #tpu.memory_space<semaphore_mem>>) src(%arg6 : memref<80xf32, #tpu.memory_space<vmem>>) dst(%dma_wait3A_149 : memref<10240xf32, #tpu.memory_space<vmem_shared>>)
    }
    %scan3A_91 = arith.constant 12 : i32
    %dma_wait3A_92 = arith.constant 24 : i32
    %dma_wait3A_93 = arith.constant 0 : i32
    %dma_wait3A_94 = tpu.memref_slice %arg7[%dma_wait3A_92, %dma_wait3A_93] : memref<25x80xi32, #tpu.memory_space<vmem>> -> memref<1x80xi32, #tpu.memory_space<vmem>>
    %dma_wait3A_95 = tpu.memref_squeeze %dma_wait3A_94 : memref<1x80xi32, #tpu.memory_space<vmem>> -> memref<80xi32, #tpu.memory_space<vmem>>
    %dma_wait3A_96 = arith.constant 0 : i32
    %dma_wait3A_97 = tpu.memref_slice %arg4[%dma_wait3A_96] : memref<10240xf32, #tpu.memory_space<vmem_shared>> -> memref<10240xf32, #tpu.memory_space<vmem_shared>>
    tpu.wait_indirect_dma semaphore(%arg8 : memref<!tpu.dma_semaphore, #tpu.memory_space<semaphore_mem>>) src(%arg6 : memref<80xf32, #tpu.memory_space<vmem>>) dst(%dma_wait3A_97 : memref<10240xf32, #tpu.memory_space<vmem_shared>>)
    %run_scoped3A_98 = arith.constant 4 : i32
    "tpu.region"() ({
      %run_scoped3A_121 = tpu.sem_alloc : memref<!tpu.dma_semaphore, #tpu.memory_space<semaphore_mem>>
      %dma_start3A_122 = arith.constant 0 : i32
      %dma_start3A_123 = arith.constant 0 : i32
      %dma_start3A_124 = tpu.memref_slice %arg2[%add3A, %run_scoped3A_98, %dma_start3A_122, %dma_start3A_123] : memref<32x5x25x80xi32, #tpu.memory_space<hbm>> -> memref<1x1x25x80xi32, #tpu.memory_space<hbm>>
      %dma_start3A_125 = tpu.memref_squeeze %dma_start3A_124 : memref<1x1x25x80xi32, #tpu.memory_space<hbm>> -> memref<25x80xi32, #tpu.memory_space<hbm>>
      %dma_start3A_126 = arith.constant 0 : i32
      %dma_start3A_127 = arith.constant 0 : i32
      %dma_start3A_128 = tpu.memref_slice %arg2[%add3A, %run_scoped3A_98, %dma_start3A_126, %dma_start3A_127] : memref<32x5x25x80xi32, #tpu.memory_space<hbm>> -> memref<1x1x25x80xi32, #tpu.memory_space<hbm>>
      %dma_start3A_129 = tpu.memref_squeeze %dma_start3A_128 : memref<1x1x25x80xi32, #tpu.memory_space<hbm>> -> memref<25x80xi32, #tpu.memory_space<hbm>>
      tpu.enqueue_dma source(%dma_start3A_129 : memref<25x80xi32, #tpu.memory_space<hbm>>) target(%arg7 : memref<25x80xi32, #tpu.memory_space<vmem>>) target_semaphore(%run_scoped3A_121 : memref<!tpu.dma_semaphore, #tpu.memory_space<semaphore_mem>>)
      %dma_wait3A_130 = arith.constant 0 : i32
      %dma_wait3A_131 = arith.constant 0 : i32
      %dma_wait3A_132 = tpu.memref_slice %arg2[%add3A, %run_scoped3A_98, %dma_wait3A_130, %dma_wait3A_131] : memref<32x5x25x80xi32, #tpu.memory_space<hbm>> -> memref<1x1x25x80xi32, #tpu.memory_space<hbm>>
      %dma_wait3A_133 = tpu.memref_squeeze %dma_wait3A_132 : memref<1x1x25x80xi32, #tpu.memory_space<hbm>> -> memref<25x80xi32, #tpu.memory_space<hbm>>
      %dma_wait3A_134 = arith.constant 0 : i32
      %dma_wait3A_135 = arith.constant 0 : i32
      %dma_wait3A_136 = tpu.memref_slice %arg2[%add3A, %run_scoped3A_98, %dma_wait3A_134, %dma_wait3A_135] : memref<32x5x25x80xi32, #tpu.memory_space<hbm>> -> memref<1x1x25x80xi32, #tpu.memory_space<hbm>>
      %dma_wait3A_137 = tpu.memref_squeeze %dma_wait3A_136 : memref<1x1x25x80xi32, #tpu.memory_space<hbm>> -> memref<25x80xi32, #tpu.memory_space<hbm>>
      tpu.wait_dma2 semaphore(%run_scoped3A_121 : memref<!tpu.dma_semaphore, #tpu.memory_space<semaphore_mem>>) src(%dma_wait3A_137 : memref<25x80xi32, #tpu.memory_space<hbm>>) dst(%arg7 : memref<25x80xi32, #tpu.memory_space<vmem>>)
      tpu.yield
    }) : () -> ()
    %dma_start3A_99 = arith.constant 0 : i32
    %dma_start3A_100 = arith.constant 0 : i32
    %dma_start3A_101 = tpu.memref_slice %arg7[%dma_start3A_99, %dma_start3A_100] : memref<25x80xi32, #tpu.memory_space<vmem>> -> memref<1x80xi32, #tpu.memory_space<vmem>>
    %dma_start3A_102 = tpu.memref_squeeze %dma_start3A_101 : memref<1x80xi32, #tpu.memory_space<vmem>> -> memref<80xi32, #tpu.memory_space<vmem>>
    %dma_start3A_103 = arith.constant 0 : i32
    %dma_start3A_104 = tpu.memref_slice %arg4[%dma_start3A_103] : memref<10240xf32, #tpu.memory_space<vmem_shared>> -> memref<10240xf32, #tpu.memory_space<vmem_shared>>
    tpu.enqueue_indirect_dma source(%arg6 : memref<80xf32, #tpu.memory_space<vmem>>) target(%dma_start3A_104 : memref<10240xf32, #tpu.memory_space<vmem_shared>>) offsets(%dma_start3A_102 : memref<80xi32, #tpu.memory_space<vmem>>) semaphore(%arg8 : memref<!tpu.dma_semaphore, #tpu.memory_space<semaphore_mem>>) {add = true}
    %scan3A_105 = arith.constant 0 : i32
    %scan3A_106 = arith.constant 12 : i32
    %scan3A_107 = arith.addi %scan3A_105, %scan3A_106 : i32
    %scan3A_108 = arith.constant 1 : i32
    scf.for %scan3A_121 = %scan3A_105 to %scan3A_107 step %scan3A_108  : i32 {
      %mul3A_122 = arith.constant 2 : i32
      %mul3A_123 = arith.muli %mul3A_122, %scan3A_121 : i32
      %add3A_124 = arith.constant 1 : i32
      %add3A_125 = arith.addi %mul3A_123, %add3A_124 : i32
      %dma_start3A_126 = arith.constant 0 : i32
      %dma_start3A_127 = tpu.memref_slice %arg7[%add3A_125, %dma_start3A_126] : memref<25x80xi32, #tpu.memory_space<vmem>> -> memref<1x80xi32, #tpu.memory_space<vmem>>
      %dma_start3A_128 = tpu.memref_squeeze %dma_start3A_127 : memref<1x80xi32, #tpu.memory_space<vmem>> -> memref<80xi32, #tpu.memory_space<vmem>>
      %dma_start3A_129 = arith.constant 0 : i32
      %dma_start3A_130 = tpu.memref_slice %arg4[%dma_start3A_129] : memref<10240xf32, #tpu.memory_space<vmem_shared>> -> memref<10240xf32, #tpu.memory_space<vmem_shared>>
      tpu.enqueue_indirect_dma source(%arg6 : memref<80xf32, #tpu.memory_space<vmem>>) target(%dma_start3A_130 : memref<10240xf32, #tpu.memory_space<vmem_shared>>) offsets(%dma_start3A_128 : memref<80xi32, #tpu.memory_space<vmem>>) semaphore(%arg9 : memref<!tpu.dma_semaphore, #tpu.memory_space<semaphore_mem>>) {add = true}
      %dma_wait3A_131 = arith.constant 0 : i32
      %dma_wait3A_132 = tpu.memref_slice %arg7[%mul3A_123, %dma_wait3A_131] : memref<25x80xi32, #tpu.memory_space<vmem>> -> memref<1x80xi32, #tpu.memory_space<vmem>>
      %dma_wait3A_133 = tpu.memref_squeeze %dma_wait3A_132 : memref<1x80xi32, #tpu.memory_space<vmem>> -> memref<80xi32, #tpu.memory_space<vmem>>
      %dma_wait3A_134 = arith.constant 0 : i32
      %dma_wait3A_135 = tpu.memref_slice %arg4[%dma_wait3A_134] : memref<10240xf32, #tpu.memory_space<vmem_shared>> -> memref<10240xf32, #tpu.memory_space<vmem_shared>>
      tpu.wait_indirect_dma semaphore(%arg8 : memref<!tpu.dma_semaphore, #tpu.memory_space<semaphore_mem>>) src(%arg6 : memref<80xf32, #tpu.memory_space<vmem>>) dst(%dma_wait3A_135 : memref<10240xf32, #tpu.memory_space<vmem_shared>>)
      %add3A_136 = arith.constant 2 : i32
      %add3A_137 = arith.addi %mul3A_123, %add3A_136 : i32
      %dma_start3A_138 = arith.constant 0 : i32
      %dma_start3A_139 = tpu.memref_slice %arg7[%add3A_137, %dma_start3A_138] : memref<25x80xi32, #tpu.memory_space<vmem>> -> memref<1x80xi32, #tpu.memory_space<vmem>>
      %dma_start3A_140 = tpu.memref_squeeze %dma_start3A_139 : memref<1x80xi32, #tpu.memory_space<vmem>> -> memref<80xi32, #tpu.memory_space<vmem>>
      %dma_start3A_141 = arith.constant 0 : i32
      %dma_start3A_142 = tpu.memref_slice %arg4[%dma_start3A_141] : memref<10240xf32, #tpu.memory_space<vmem_shared>> -> memref<10240xf32, #tpu.memory_space<vmem_shared>>
      tpu.enqueue_indirect_dma source(%arg6 : memref<80xf32, #tpu.memory_space<vmem>>) target(%dma_start3A_142 : memref<10240xf32, #tpu.memory_space<vmem_shared>>) offsets(%dma_start3A_140 : memref<80xi32, #tpu.memory_space<vmem>>) semaphore(%arg8 : memref<!tpu.dma_semaphore, #tpu.memory_space<semaphore_mem>>) {add = true}
      %add3A_143 = arith.constant 1 : i32
      %add3A_144 = arith.addi %mul3A_123, %add3A_143 : i32
      %dma_wait3A_145 = arith.constant 0 : i32
      %dma_wait3A_146 = tpu.memref_slice %arg7[%add3A_144, %dma_wait3A_145] : memref<25x80xi32, #tpu.memory_space<vmem>> -> memref<1x80xi32, #tpu.memory_space<vmem>>
      %dma_wait3A_147 = tpu.memref_squeeze %dma_wait3A_146 : memref<1x80xi32, #tpu.memory_space<vmem>> -> memref<80xi32, #tpu.memory_space<vmem>>
      %dma_wait3A_148 = arith.constant 0 : i32
      %dma_wait3A_149 = tpu.memref_slice %arg4[%dma_wait3A_148] : memref<10240xf32, #tpu.memory_space<vmem_shared>> -> memref<10240xf32, #tpu.memory_space<vmem_shared>>
      tpu.wait_indirect_dma semaphore(%arg9 : memref<!tpu.dma_semaphore, #tpu.memory_space<semaphore_mem>>) src(%arg6 : memref<80xf32, #tpu.memory_space<vmem>>) dst(%dma_wait3A_149 : memref<10240xf32, #tpu.memory_space<vmem_shared>>)
    }
    %scan3A_109 = arith.constant 12 : i32
    %dma_wait3A_110 = arith.constant 24 : i32
    %dma_wait3A_111 = arith.constant 0 : i32
    %dma_wait3A_112 = tpu.memref_slice %arg7[%dma_wait3A_110, %dma_wait3A_111] : memref<25x80xi32, #tpu.memory_space<vmem>> -> memref<1x80xi32, #tpu.memory_space<vmem>>
    %dma_wait3A_113 = tpu.memref_squeeze %dma_wait3A_112 : memref<1x80xi32, #tpu.memory_space<vmem>> -> memref<80xi32, #tpu.memory_space<vmem>>
    %dma_wait3A_114 = arith.constant 0 : i32
    %dma_wait3A_115 = tpu.memref_slice %arg4[%dma_wait3A_114] : memref<10240xf32, #tpu.memory_space<vmem_shared>> -> memref<10240xf32, #tpu.memory_space<vmem_shared>>
    tpu.wait_indirect_dma semaphore(%arg8 : memref<!tpu.dma_semaphore, #tpu.memory_space<semaphore_mem>>) src(%arg6 : memref<80xf32, #tpu.memory_space<vmem>>) dst(%dma_wait3A_115 : memref<10240xf32, #tpu.memory_space<vmem_shared>>)
    %barrier3A_116 = arith.constant 0 : index
    tpu.barrier barrier_id(%barrier3A_116)
    %mul3A_117 = arith.constant 640 : i32
    %mul3A_118 = arith.muli %arg1, %mul3A_117 : i32
    %mul3A_119 = arith.constant 640 : i32
    %mul3A_120 = arith.muli %arg1, %mul3A_119 : i32
    "tpu.region"() ({
      %run_scoped3A_121 = tpu.sem_alloc : memref<!tpu.dma_semaphore, #tpu.memory_space<semaphore_mem>>
      %dma_start3A_122 = tpu.memref_slice %arg3[%arg0, %mul3A_120] : memref<2x10240xf32, #tpu.memory_space<hbm>> -> memref<1x640xf32, #tpu.memory_space<hbm>>
      %dma_start3A_123 = tpu.memref_squeeze %dma_start3A_122 : memref<1x640xf32, #tpu.memory_space<hbm>> -> memref<640xf32, #tpu.memory_space<hbm>>
      %dma_start3A_124 = tpu.memref_slice %arg4[%mul3A_118] : memref<10240xf32, #tpu.memory_space<vmem_shared>> -> memref<640xf32, #tpu.memory_space<vmem_shared>>
      tpu.enqueue_dma source(%dma_start3A_124 : memref<640xf32, #tpu.memory_space<vmem_shared>>) target(%dma_start3A_123 : memref<640xf32, #tpu.memory_space<hbm>>) target_semaphore(%run_scoped3A_121 : memref<!tpu.dma_semaphore, #tpu.memory_space<semaphore_mem>>)
      %dma_wait3A_125 = tpu.memref_slice %arg3[%arg0, %mul3A_120] : memref<2x10240xf32, #tpu.memory_space<hbm>> -> memref<1x640xf32, #tpu.memory_space<hbm>>
      %dma_wait3A_126 = tpu.memref_squeeze %dma_wait3A_125 : memref<1x640xf32, #tpu.memory_space<hbm>> -> memref<640xf32, #tpu.memory_space<hbm>>
      %dma_wait3A_127 = tpu.memref_slice %arg4[%mul3A_118] : memref<10240xf32, #tpu.memory_space<vmem_shared>> -> memref<640xf32, #tpu.memory_space<vmem_shared>>
      tpu.wait_dma2 semaphore(%run_scoped3A_121 : memref<!tpu.dma_semaphore, #tpu.memory_space<semaphore_mem>>) src(%dma_wait3A_127 : memref<640xf32, #tpu.memory_space<vmem_shared>>) dst(%dma_wait3A_126 : memref<640xf32, #tpu.memory_space<hbm>>)
      tpu.yield
    }) : () -> ()
    return
  }
}

</mosaic_0001>

<sc_bundles>
// kernel: _sc_degree.3.cloned.1.call-start
scs
__scs_entry_jumppad:
0x0: {  	(pc) =	sbr.rel $0x88, $3  }
0x1: {  	(tag) =	ssettag $0x0;
	lr =	simm.s32 $0x1  }
0x2: {  	[smem:$0x3FA0] =	sst lr;
	_ =	strace $0xD0000000  }
0x3: {  	_ = 	snop  }
0x4: {  	_ = 	snop  }
0x5: {  	_ = 	snop  }
0x6: {  	_ = 	snop  }
0x7: {  	_ = 	snop  }
__scs_overlays_trampoline_lowered:
0x8: {  	[smem:$0x3FAF] =	sst s0  }
0x9: {  	[smem:$0x3FB0] =	sst s1  }
0xa: {  	[smem:$0x3FB1] =	sst s2  }
0xb: {  	[smem:$0x3FB2] =	sst s3  }
0xc: {  	[smem:$0x3FB3] =	sst s4  }
0xd: {  	[smem:$0x3FB4] =	sst s5  }
0xe: {  	[smem:$0x3FB5] =	sst s6  }
0xf: {  	[smem:$0x3FB6] =	sst s7  }
0x10: {  	[smem:$0x3FB7] =	sst s8  }
0x11: {  	[smem:$0x3FB8] =	sst s9;
	s0 =	simm.s32 @!p0 $0x0  }
0x12: {  	s1 =	sld [smem:$0x3F9E];
	s0 =	simm.s32 @p0 $0x1  }
0x13: {  	[smem:$0x3FB9] =	sst s0;
	s0 =	simm.s32 @!p1 $0x0  }
0x14: {  	s2 =	sld [smem:$0x3F9D];
	s0 =	simm.s32 @p1 $0x1  }
0x15: {  	[smem:$0x3FBA] =	sst s0;
	s0 =	simm.s32 @!p2 $0x0  }
0x16: {  	s3 =	sld [smem:$0x3FDB];
	s0 =	simm.s32 @p2 $0x1  }
0x17: {  	s4 =	simm.s32 $0x1BF5;
	[smem:$0x3FBC] =	sst s0  }
0x18: {  	s0 =	sld [smem:$0x3F9F];
	_ =	swait.ge [sflag:s4], $0x0  }
0x19: {  	s7 =	sld [smem:$0x3FA0]  }
0x1a: {  	s8 =	sadd.s32 $0xFFFFE003, lr  }
0x1b: {  	s9 =	sadd.s32 $0xFFFFFEF7, lr;
	s5 =	simm.s32 $0xFFFFFFFF;
	p2 =	slt.u32 s8, $0xFFFFF086  }
0x1c: {  	p1 =	slt.u32 s9, $0xF7A;
	s5 =	simm.s32 @!p2 $0x0  }
0x1d: {  	s5 =	simm.s32 @p1 $0x1;
	p0 =	seq.s32 s7, s2  }
0x1e: {  	s7 =	smul.u32 @!p0 $0xF7A, s2;
	p2 =	seq.s32 @!p0 s5, $0x0  }
0x1f: {  	s9 =	smul.u32 $0xF7A, s1;
	s8 =	simm.s32 @!p0 $0x1BF5;
	p2 =	por !p2, p0  }
0x20: {  	[sflag:s8] =	ssyncset.s32 @!p0 $0xFFFFF086;
	s6 =	sadd.s32 @!p0 s3, s7;
	s7 =	simm.s32 @!p0 $0x108  }
0x21: {  	s3 =	sadd.s32 s3, s9;
	s6 =	sadd.s32 @!p0 $0x88, s6;
	s7 =	simm.s32 @p2 $0x1082  }
0x22: {  	[simem:s7], [sflag:s8] =	dma.local @!p0 [hbm:s6], $0xF7A  }
0x23: {  	s9 =	sor.u32 $0xD0000000, s2;
	s6 =	simm.s32 $0x108;
	_ =	swait.ge @!p0 [sflag:s8], $0x0  }
0x24: {  	s3 =	sadd.s32 $0x88, s3;
	s6 =	simm.s32 @!p1 $0x1082;
	[sflag:s4] =	ssyncset.s32 $0xFFFFF086  }
0x25: {  	[simem:s6], [sflag:s4] =	dma.local [hbm:s3], $0xF7A  }
0x26: {  	[smem:$0x3FA0] =	sst s1;
	(tag) =	ssettag s2;
	_ =	strace s9  }
0x27: {  	s1 =	sld [smem:$0x3FB0]  }
0x28: {  	s2 =	sld [smem:$0x3FB1]  }
0x29: {  	s4 =	sld [smem:$0x3FB3]  }
0x2a: {  	p0 =	seq.s32 s5, $0x0;
	s5 =	sld [smem:$0x3FB4]  }
0x2b: {  	s6 =	sld [smem:$0x3FB5]  }
0x2c: {  	s7 =	sld [smem:$0x3FB6]  }
0x2d: {  	s3 =	simm.s32 $0x108;
	s8 =	sld [smem:$0x3FB7]  }
0x2e: {  	s3 =	simm.s32 @!p0 $0x1082;
	s9 =	sld [smem:$0x3FB8]  }
0x2f: {  	lr =	sadd.s32 s0, s3;
	s0 =	sld [smem:$0x3FAF]  }
0x30: {  	s3 =	sld [smem:$0x3FB2]  }
0x31: {  	[smem:$0x3FBB] =	sst s10  }
0x32: {  	s10 =	sld [smem:$0x3FB9];
	_ =	sdelay $0x3  }
0x33: {  	p0 =	seq.s32 s10, $0x1;
	s10 =	sld [smem:$0x3FBB];
	_ =	sdelay $0x3  }
0x34: {  	[smem:$0x3FBB] =	sst s10  }
0x35: {  	s10 =	sld [smem:$0x3FBA];
	_ =	sdelay $0x3  }
0x36: {  	p1 =	seq.s32 s10, $0x1;
	s10 =	sld [smem:$0x3FBB];
	_ =	sdelay $0x3  }
0x37: {  	[smem:$0x3FBB] =	sst s10  }
0x38: {  	s10 =	sld [smem:$0x3FBC]  }
0x39: {  	_ = 	snop;
	(pc) =	sbr.ind lr, $3  }
0x3a: {  	_ = 	snop  }
0x3b: {  	_ = 	snop  }
0x3c: {  	p2 =	seq.s32 s10, $0x1;
	s10 =	sld [smem:$0x3FBB]  }
0x3d: {  	_ =	shalt  }
0x3e: {  	_ =	shalt  }
0x3f: {  	_ =	shalt  }
0x40: {  	_ =	shalt  }
0x41: {  	_ =	shalt  }
0x42: {  	_ =	shalt  }
0x43: {  	_ =	shalt  }
0x44: {  	_ =	shalt  }
0x45: {  	_ =	shalt  }
0x46: {  	_ =	shalt  }
0x47: {  	_ =	shalt  }
0x48: {  	_ =	shalt  }
0x49: {  	_ =	shalt  }
0x4a: {  	_ =	shalt  }
0x4b: {  	_ =	shalt  }
0x4c: {  	_ =	shalt  }
0x4d: {  	_ =	shalt  }
0x4e: {  	_ =	shalt  }
0x4f: {  	_ =	shalt  }
0x50: {  	_ =	shalt  }
0x51: {  	_ =	shalt  }
0x52: {  	_ =	shalt  }
0x53: {  	_ =	shalt  }
0x54: {  	_ =	shalt  }
0x55: {  	_ =	shalt  }
0x56: {  	_ =	shalt  }
0x57: {  	_ =	shalt  }
0x58: {  	_ =	shalt  }
0x59: {  	_ =	shalt  }
0x5a: {  	_ =	shalt  }
0x5b: {  	_ =	shalt  }
0x5c: {  	_ =	shalt  }
0x5d: {  	_ =	shalt  }
0x5e: {  	_ =	shalt  }
0x5f: {  	_ =	shalt  }
0x60: {  	_ =	shalt  }
0x61: {  	_ =	shalt  }
0x62: {  	_ =	shalt  }
0x63: {  	_ =	shalt  }
0x64: {  	_ =	shalt  }
0x65: {  	_ =	shalt  }
0x66: {  	_ =	shalt  }
0x67: {  	_ =	shalt  }
0x68: {  	_ =	shalt  }
0x69: {  	_ =	shalt  }
0x6a: {  	_ =	shalt  }
0x6b: {  	_ =	shalt  }
0x6c: {  	_ =	shalt  }
0x6d: {  	_ =	shalt  }
0x6e: {  	_ =	shalt  }
0x6f: {  	_ =	shalt  }
0x70: {  	_ =	shalt  }
0x71: {  	_ =	shalt  }
0x72: {  	_ =	shalt  }
0x73: {  	_ =	shalt  }
0x74: {  	_ =	shalt  }
0x75: {  	_ =	shalt  }
0x76: {  	_ =	shalt  }
0x77: {  	_ =	shalt  }
0x78: {  	_ =	shalt  }
0x79: {  	_ =	shalt  }
0x7a: {  	_ =	shalt  }
0x7b: {  	_ =	shalt  }
0x7c: {  	_ =	shalt  }
0x7d: {  	_ =	shalt  }
0x7e: {  	_ =	shalt  }
0x7f: {  	_ =	shalt  }
0x80: {  	_ =	shalt  }
0x81: {  	_ =	shalt  }
0x82: {  	_ =	shalt  }
0x83: {  	_ =	shalt  }
0x84: {  	_ =	shalt  }
0x85: {  	_ =	shalt  }
0x86: {  	_ =	shalt  }
0x87: {  	_ =	shalt  }
.Lfunc_end0:
.L_simem_size_0:
called_computation_lowered:
.L_overlay_start_0:
0x88: {  	s2 =	sld [smem:$0x3FD9]  }
0x89: {  	s3 =	sld [smem:$0x3FFE];
	_ =	sdelay $0x1  }
0x8a: {  	s1 =	srdreg.scid  }
0x8b: {  	s0 =	sand.u32 $0x1, s1  }
0x8c: {  	s17 =	sshll.u32 s0, $0xA;
	s2 =	sadd.s32 s3, s2  }
0x8d: {  	s2 =	sadd.s32 s2, s17  }
0x8e: {  	[smem:$0x3FC7] =	sst s2  }
0x8f: {  	_ = 	snop  }
0x90: {  	s2 =	sld [smem:$0x3FD0];
	(tm) =	ssettm $0x1  }
0x91: {  	s18 =	sld [smem:$0x3FFB];
	_ =	sdelay $0x3  }
0x92: {  	_ =	strace s18  }
0x93: {  	s3 =	sld [smem:$0x3FFC];
	_ =	sdelay $0x3  }
0x94: {  	_ =	strace s3  }
0x95: {  	s3 =	sld [smem:$0x3FFD];
	_ =	sdelay $0x3  }
0x96: {  	_ =	strace s3  }
0x97: {  	_ =	strace $0x8FFFFFFF  }
0x98: {  	s19 =	sld [smem:$0x3FDB];
	_ =	sdelay $0x1  }
0x99: {  	s4 =	simm.s32 $_scs_section_size  }
0x9a: {  	s5 =	simm.s32 $_size__tile_overlayer_lowered;
	s6 =	simm.s32 $_tile_overlayer_lowered  }
0x9b: {  	s22 =	simm.s32 $0x1BFF;
	s21 =	sshll.u32 s6, $0x1;
	s3 =	sadd.s32 s4, s19  }
0x9c: {  	s7 =	simm.s32 $0x0;
	s20 =	sshll.u32 s5, $0x1;
	s5 =	sadd.s32 s21, s3  }
0x9d: {  	[timem:s7], [sflag:s22] =	dma.local [hbm:s5], s20  }
0x9e: {  	_ =	swait.ge [sflag:s22], s20  }
0x9f: {  	s4 =	ssub.s32 $0x0, s20;
	[sflag:s22] =	ssyncset.done $0x0  }
0xa0: {  	[sflag:s22] =	ssyncadd.s32 s4;
	_ =	sdelay $0x1  }
0xa1: {  	s23 =	simm.s32 $0x1B8B  }
0xa2: {  	_ =	swait.ge [sflag:s23], $0x1  }
0xa3: {  	[sflag:s23] =	ssyncset.done $0x0  }
0xa4: {  	s25 =	simm.s32 $0x1B8E;
	s24 =	sld [smem:$0x3FFE];
	[sflag:s23] =	ssyncadd.s32 $0xFFFFFFFF  }
0xa5: {  	s26 =	simm.s32 $execute0_lowered;
	[smem:$0x3FD2] =	sst s25  }
0xa6: {  	s5 =	sshll.u32 s26, $0x1;
	_ =	strace $0x80000046;
	[dreg:$0x1] =	wrdreg $0xFFFFFFFF  }
0xa7: {  	s28 =	simm.s32 $_size_execute0_lowered;
	s3 =	sadd.s32 s3, s5;
	[dreg:$0x0] =	wrdreg $0x0  }
0xa8: {  	s5 =	sshll.u32 s28, $0x1;
	[dreg:$0x2] =	wrdreg s3  }
0xa9: {  	[dreg:$0x3] =	wrdreg s5  }
0xaa: {  	[dreg:$0x4] =	wrdreg $0xC0  }
0xab: {  	_ =	task [dreg:s7], $0x5FFFF  }
0xac: {  	[dreg:$0x1] =	wrdreg $0xFFFFFFFF  }
0xad: {  	[dreg:$0x0] =	wrdreg $0x60  }
0xae: {  	[dreg:$0x2] =	wrdreg s24  }
0xaf: {  	[dreg:$0x3] =	wrdreg s2  }
0xb0: {  	[dreg:$0x4] =	wrdreg $0x0  }
0xb1: {  	[dreg:$0x5] =	wrdreg $0x9  }
0xb2: {  	_ =	task.clear_ibuf [dreg:s7], $0x6FFFF;
	_ =	strace $0x90000046  }
0xb3: {  	s29 =	simm.s32 $0x9;
	_ =	strace $0x80000048  }
0xb4: {  	_ =	swait.ge [sflag:s29], $0x1  }
0xb5: {  	[sflag:s29] =	ssyncadd.s32 $0xFFFFFFFF  }
0xb6: {  	_ =	strace $0x90000048  }
0xb7: {  	_ =	sfence  }
0xb8: {  	s30 =	sld [smem:$0x0];
	_ =	sdelay $0x2  }
0xb9: {  	s31 =	sshll.u32 s1, $0xD;
	s1 =	sshrl.u32 s1, $0x2  }
0xba: {  	s3 =	sand.u32 $0x4000, s31;
	s1 =	sadd.s32 s1, s30  }
0xbb: {  	s0 =	sor.u32 s3, s0;
	s1 =	sshll.u32 s1, $0x11  }
0xbc: {  	s0 =	sor.u32 s1, s0  }
0xbd: {  	s0 =	sadd.s32 $0x8F2B, s0  }
0xbe: {  	[sflag:s0] =	ssyncadd.remote.s32 $0x1  }
0xbf: {  	_ =	sfence.sel $0xFFFF  }
0xc0: {  	[dreg:$0x0] =	wrdreg $0xFFFFFFFF;
	(pc) =	sbr.abs _section_cstart, $3  }
0xc1: {  	[dreg:$0x1] =	wrdreg $0xFFFFFFFF  }
0xc2: {  	_ =	task.clear_ibuf [dreg:s7], $0x2FFFF;
	_ =	strace $0x9FFFFFFF  }
0xc3: {  	(tm) =	ssettm $0x7FFFFFFF  }
tec
execute0_lowered:
.L_overlay_start_1:
0x0: {  	(tag) =	ssettag $0x1  }
0x1: {  	s2 =	rddreg [dreg:$0x0]  }
0x2: {  	s0 =	rddreg [dreg:$0x1];
	s3 =	simm.s32 $0x0  }
0x3: {  	v0 =	vimm.f32 $0.0e+00;
	[smem:$0x7FF] =	sst s3  }
0x4: {  	s1 =	rddreg [dreg:$0x2];
	v1 =	vimm.f32 $1.000000000e+00;
	_ =	strace $0x80000047;
	[tilespmem:$0x280] =	vst v0  }
0x5: {  	[tilespmem:$0x540] =	vst v1  }
0x6: {  	[tilespmem:$0x530] =	vst v1  }
0x7: {  	[tilespmem:$0x520] =	vst v1  }
0x8: {  	[tilespmem:$0x510] =	vst v1  }
0x9: {  	[tilespmem:$0x500] =	vst v1  }
0xa: {  	[tilespmem:$0x4F0] =	vst v0  }
0xb: {  	[tilespmem:$0x4E0] =	vst v0  }
0xc: {  	[tilespmem:$0x4D0] =	vst v0  }
0xd: {  	[tilespmem:$0x4C0] =	vst v0  }
0xe: {  	[tilespmem:$0x4B0] =	vst v0  }
0xf: {  	[tilespmem:$0x4A0] =	vst v0  }
0x10: {  	[tilespmem:$0x490] =	vst v0  }
0x11: {  	[tilespmem:$0x480] =	vst v0  }
0x12: {  	[tilespmem:$0x470] =	vst v0  }
0x13: {  	[tilespmem:$0x460] =	vst v0  }
0x14: {  	[tilespmem:$0x450] =	vst v0  }
0x15: {  	[tilespmem:$0x440] =	vst v0  }
0x16: {  	[tilespmem:$0x430] =	vst v0  }
0x17: {  	[tilespmem:$0x420] =	vst v0  }
0x18: {  	[tilespmem:$0x410] =	vst v0  }
0x19: {  	[tilespmem:$0x400] =	vst v0  }
0x1a: {  	[tilespmem:$0x3F0] =	vst v0  }
0x1b: {  	[tilespmem:$0x3E0] =	vst v0  }
0x1c: {  	[tilespmem:$0x3D0] =	vst v0  }
0x1d: {  	[tilespmem:$0x3C0] =	vst v0  }
0x1e: {  	[tilespmem:$0x3B0] =	vst v0  }
0x1f: {  	[tilespmem:$0x3A0] =	vst v0  }
0x20: {  	[tilespmem:$0x390] =	vst v0  }
0x21: {  	[tilespmem:$0x380] =	vst v0  }
0x22: {  	s14 =	srdreg.scid;
	[tilespmem:$0x370] =	vst v0  }
0x23: {  	s5 =	stileid.u32;
	s16 =	stileid.u32;
	s22 =	simm.s32 $0x280;
	[tilespmem:$0x360] =	vst v0  }
0x24: {  	s24 =	simm.s32 $0x20;
	s6 =	sand.u32 $0x1, s14;
	s15 =	sshll.u32 s5, $0x1;
	[tilespmem:$0x350] =	vst v0  }
0x25: {  	s4 =	smul.u32 $0x500, s16;
	s3 =	sor.u32 s6, s15;
	[dreg:$0x10] =	wrdreg s6;
	[tilespmem:$0x340] =	vst v0  }
0x26: {  	[tilespmem:$0x330] =	vst v0;
	s19 =	sshll.u32 s6, $0x7;
	[dreg:$0xa] =	wrdreg s22;
	s3 =	smul.u32 $0x5000, s3  }
0x27: {  	s26 =	simm.s32 $0x10;
	[tilespmem:$0x320] =	vst v0;
	[dreg:$0xb] =	wrdreg s24;
	s4 =	sor.u32 s19, s4  }
0x28: {  	[tilespmem:$0x310] =	vst v0;
	[dreg:$0xc] =	wrdreg s26;
	s21 =	sshrl.u32 s4, $0x3;
	s3 =	sshrl.u32 s3, $0x3  }
0x29: {  	[tilespmem:$0x300] =	vst v0;
	s25 =	rddreg [dreg:$0xa];
	s0 =	sadd.s32 s0, s21;
	s2 =	sadd.s32 s3, s2  }
0x2a: {  	[tilespmem:$0x2F0] =	vst v0;
	[dreg:$0x9] =	wrdreg s0;
	s3 =	sadd.s32 $0x400, s2  }
0x2b: {  	s7 =	stileid.u32;
	[tilespmem:$0x2E0] =	vst v0;
	s17 =	sadd.s32 $0x600, s2;
	[dreg:$0x4] =	wrdreg s3  }
0x2c: {  	s23 =	smul.u32 $0xA00, s7;
	[tilespmem:$0x2D0] =	vst v0;
	s18 =	sadd.s32 $0x800, s2;
	[dreg:$0x5] =	wrdreg s17  }
0x2d: {  	[tilespmem:$0x2C0] =	vst v0;
	s20 =	sadd.s32 $0xA00, s2;
	s2 =	sadd.s32 $0xC00, s2;
	[dreg:$0x6] =	wrdreg s18  }
0x2e: {  	[tilespmem:$0x2B0] =	vst v0;
	[dreg:$0x8] =	wrdreg s2;
	s2 =	sshrl.u32 s23, $0x2  }
0x2f: {  	[tilespmem:$0x2A0] =	vst v0;
	[dreg:$0x7] =	wrdreg s20;
	s2 =	sadd.s32 s2, s1  }
0x30: {  	[tilespmem:$0x290] =	vst v0;
	s4 =	simm.s32 $0x3;
	[dreg:$0xd] =	wrdreg s2  }
0x31: {  	[spmem:s2] =	stream.linear.scatter [tilespmem:s25], [sflag:$0x3], $0x280, $0x38;
	[tilespmem:$0x1580] =	vst v63  }
0x32: {  	_ =	swait.ge [sflag:s4], $0x280  }
0x33: {  	[sflag:s4] =	ssyncset.done $0x0  }
0x34: {  	[sflag:s4] =	ssyncadd.s32 $0xFFFFFD80  }
0x35: {  	[bflag:$0x0] =	sbarrier.arrive $0xFFFF  }
0x36: {  	s8 =	simm.s32 $0x0;
	s2 =	simm.s32 $0x580;
	s28 =	rddreg [dreg:$0x4]  }
0x37: {  	[tilespmem:s2], [sflag:$0x3] =	stream.linear.gather [hbm4b:s28+s8], $0xC80, $0x38;
	[tilespmem:$0x1580] =	vst v63  }
0x38: {  	_ =	swait.ge [sflag:s4], $0xC80  }
0x39: {  	[sflag:s4] =	ssyncset.done $0x0  }
0x3a: {  	s7 =	simm.s32 $0x50;
	s8 =	simm.s32 $0x500;
	[sflag:s4] =	ssyncadd.s32 $0xFFFFF380  }
0x3b: {  	[spmem:s1] =	stream.indirect.scatter.add.f32 [tilespmem:s8], [sflag:$0x1], $0x1, s2, s7, $0xb8;
	[tilespmem:$0x1580] =	vst v63  }
0x3c: {  	s29 =	simm.s32 $0x600;
	s10 =	simm.s32 $0x1  }
0x3d: {  	[spmem:s1] =	stream.indirect.scatter.add.f32 [tilespmem:s8], [sflag:$0x2], $0x1, s29, s7, $0xb8;
	[tilespmem:$0x1580] =	vst v63  }
0x3e: {  	_ =	swait.ge [sflag:s10], $0x50  }
0x3f: {  	[sflag:s10] =	ssyncset.done $0x0  }
0x40: {  	s30 =	simm.s32 $0x680;
	s12 =	simm.s32 $0x2;
	[sflag:s10] =	ssyncadd.s32 $0xFFFFFFB0  }
0x41: {  	[spmem:s1] =	stream.indirect.scatter.add.f32 [tilespmem:s8], [sflag:$0x1], $0x1, s30, s7, $0xb8;
	[tilespmem:$0x1580] =	vst v63  }
0x42: {  	_ =	swait.ge [sflag:s12], $0x50  }
0x43: {  	[sflag:s12] =	ssyncset.done $0x0  }
0x44: {  	s31 =	simm.s32 $0x700;
	[sflag:s12] =	ssyncadd.s32 $0xFFFFFFB0  }
0x45: {  	[spmem:s1] =	stream.indirect.scatter.add.f32 [tilespmem:s8], [sflag:$0x2], $0x1, s31, s7, $0xb8;
	[tilespmem:$0x1580] =	vst v63  }
0x46: {  	_ =	swait.ge [sflag:s10], $0x50  }
0x47: {  	[sflag:s10] =	ssyncset.done $0x0  }
0x48: {  	s5 =	simm.s32 $0x780;
	[sflag:s10] =	ssyncadd.s32 $0xFFFFFFB0  }
0x49: {  	[spmem:s1] =	stream.indirect.scatter.add.f32 [tilespmem:s8], [sflag:$0x1], $0x1, s5, s7, $0xb8;
	[tilespmem:$0x1580] =	vst v63  }
0x4a: {  	_ =	swait.ge [sflag:s12], $0x50  }
0x4b: {  	[sflag:s12] =	ssyncset.done $0x0  }
0x4c: {  	s6 =	simm.s32 $0x800;
	[sflag:s12] =	ssyncadd.s32 $0xFFFFFFB0  }
0x4d: {  	[spmem:s1] =	stream.indirect.scatter.add.f32 [tilespmem:s8], [sflag:$0x2], $0x1, s6, s7, $0xb8;
	[tilespmem:$0x1580] =	vst v63  }
0x4e: {  	_ =	swait.ge [sflag:s10], $0x50  }
0x4f: {  	[sflag:s10] =	ssyncset.done $0x0  }
0x50: {  	s9 =	simm.s32 $0x880;
	[sflag:s10] =	ssyncadd.s32 $0xFFFFFFB0  }
0x51: {  	[spmem:s1] =	stream.indirect.scatter.add.f32 [tilespmem:s8], [sflag:$0x1], $0x1, s9, s7, $0xb8;
	[tilespmem:$0x1580] =	vst v63  }
0x52: {  	_ =	swait.ge [sflag:s12], $0x50  }
0x53: {  	[sflag:s12] =	ssyncset.done $0x0  }
0x54: {  	s11 =	simm.s32 $0x900;
	[sflag:s12] =	ssyncadd.s32 $0xFFFFFFB0  }
0x55: {  	[spmem:s1] =	stream.indirect.scatter.add.f32 [tilespmem:s8], [sflag:$0x2], $0x1, s11, s7, $0xb8;
	[tilespmem:$0x1580] =	vst v63  }
0x56: {  	_ =	swait.ge [sflag:s10], $0x50  }
0x57: {  	[sflag:s10] =	ssyncset.done $0x0  }
0x58: {  	s13 =	simm.s32 $0x980;
	[sflag:s10] =	ssyncadd.s32 $0xFFFFFFB0  }
0x59: {  	[spmem:s1] =	stream.indirect.scatter.add.f32 [tilespmem:s8], [sflag:$0x1], $0x1, s13, s7, $0xb8;
	[tilespmem:$0x1580] =	vst v63  }
0x5a: {  	_ =	swait.ge [sflag:s12], $0x50  }
0x5b: {  	[sflag:s12] =	ssyncset.done $0x0  }
0x5c: {  	s14 =	simm.s32 $0xA00;
	[sflag:s12] =	ssyncadd.s32 $0xFFFFFFB0  }
0x5d: {  	[spmem:s1] =	stream.indirect.scatter.add.f32 [tilespmem:s8], [sflag:$0x2], $0x1, s14, s7, $0xb8;
	[tilespmem:$0x1580] =	vst v63  }
0x5e: {  	_ =	swait.ge [sflag:s10], $0x50  }
0x5f: {  	[sflag:s10] =	ssyncset.done $0x0  }
0x60: {  	s15 =	simm.s32 $0xA80;
	[sflag:s10] =	ssyncadd.s32 $0xFFFFFFB0  }
0x61: {  	[spmem:s1] =	stream.indirect.scatter.add.f32 [tilespmem:s8], [sflag:$0x1], $0x1, s15, s7, $0xb8;
	[tilespmem:$0x1580] =	vst v63  }
0x62: {  	_ =	swait.ge [sflag:s12], $0x50  }
0x63: {  	[sflag:s12] =	ssyncset.done $0x0  }
0x64: {  	s16 =	simm.s32 $0xB00;
	[sflag:s12] =	ssyncadd.s32 $0xFFFFFFB0  }
0x65: {  	[spmem:s1] =	stream.indirect.scatter.add.f32 [tilespmem:s8], [sflag:$0x2], $0x1, s16, s7, $0xb8;
	[tilespmem:$0x1580] =	vst v63  }
0x66: {  	_ =	swait.ge [sflag:s10], $0x50  }
0x67: {  	[sflag:s10] =	ssyncset.done $0x0  }
0x68: {  	s17 =	simm.s32 $0xB80;
	[sflag:s10] =	ssyncadd.s32 $0xFFFFFFB0  }
0x69: {  	[spmem:s1] =	stream.indirect.scatter.add.f32 [tilespmem:s8], [sflag:$0x1], $0x1, s17, s7, $0xb8;
	[tilespmem:$0x1580] =	vst v63  }
0x6a: {  	_ =	swait.ge [sflag:s12], $0x50  }
0x6b: {  	[sflag:s12] =	ssyncset.done $0x0  }
0x6c: {  	s18 =	simm.s32 $0xC00;
	[sflag:s12] =	ssyncadd.s32 $0xFFFFFFB0  }
0x6d: {  	[spmem:s1] =	stream.indirect.scatter.add.f32 [tilespmem:s8], [sflag:$0x2], $0x1, s18, s7, $0xb8;
	[tilespmem:$0x1580] =	vst v63  }
0x6e: {  	_ =	swait.ge [sflag:s10], $0x50  }
0x6f: {  	[sflag:s10] =	ssyncset.done $0x0  }
0x70: {  	s19 =	simm.s32 $0xC80;
	[sflag:s10] =	ssyncadd.s32 $0xFFFFFFB0  }
0x71: {  	[spmem:s1] =	stream.indirect.scatter.add.f32 [tilespmem:s8], [sflag:$0x1], $0x1, s19, s7, $0xb8;
	[tilespmem:$0x1580] =	vst v63  }
0x72: {  	_ =	swait.ge [sflag:s12], $0x50  }
0x73: {  	[sflag:s12] =	ssyncset.done $0x0  }
0x74: {  	s20 =	simm.s32 $0xD00;
	[sflag:s12] =	ssyncadd.s32 $0xFFFFFFB0  }
0x75: {  	[spmem:s1] =	stream.indirect.scatter.add.f32 [tilespmem:s8], [sflag:$0x2], $0x1, s20, s7, $0xb8;
	[tilespmem:$0x1580] =	vst v63  }
0x76: {  	_ =	swait.ge [sflag:s10], $0x50  }
0x77: {  	[sflag:s10] =	ssyncset.done $0x0  }
0x78: {  	s21 =	simm.s32 $0xD80;
	[sflag:s10] =	ssyncadd.s32 $0xFFFFFFB0  }
0x79: {  	[spmem:s1] =	stream.indirect.scatter.add.f32 [tilespmem:s8], [sflag:$0x1], $0x1, s21, s7, $0xb8;
	[tilespmem:$0x1580] =	vst v63  }
0x7a: {  	_ =	swait.ge [sflag:s12], $0x50  }
0x7b: {  	[sflag:s12] =	ssyncset.done $0x0  }
0x7c: {  	s22 =	simm.s32 $0xE00;
	[sflag:s12] =	ssyncadd.s32 $0xFFFFFFB0  }
0x7d: {  	[spmem:s1] =	stream.indirect.scatter.add.f32 [tilespmem:s8], [sflag:$0x2], $0x1, s22, s7, $0xb8;
	[tilespmem:$0x1580] =	vst v63  }
0x7e: {  	_ =	swait.ge [sflag:s10], $0x50  }
0x7f: {  	[sflag:s10] =	ssyncset.done $0x0  }
0x80: {  	s23 =	simm.s32 $0xE80;
	[sflag:s10] =	ssyncadd.s32 $0xFFFFFFB0  }
0x81: {  	[spmem:s1] =	stream.indirect.scatter.add.f32 [tilespmem:s8], [sflag:$0x1], $0x1, s23, s7, $0xb8;
	[tilespmem:$0x1580] =	vst v63  }
0x82: {  	_ =	swait.ge [sflag:s12], $0x50  }
0x83: {  	[sflag:s12] =	ssyncset.done $0x0  }
0x84: {  	s24 =	simm.s32 $0xF00;
	[sflag:s12] =	ssyncadd.s32 $0xFFFFFFB0  }
0x85: {  	[spmem:s1] =	stream.indirect.scatter.add.f32 [tilespmem:s8], [sflag:$0x2], $0x1, s24, s7, $0xb8;
	[tilespmem:$0x1580] =	vst v63  }
0x86: {  	_ =	swait.ge [sflag:s10], $0x50  }
0x87: {  	[sflag:s10] =	ssyncset.done $0x0  }
0x88: {  	s25 =	simm.s32 $0xF80;
	[sflag:s10] =	ssyncadd.s32 $0xFFFFFFB0  }
0x89: {  	[spmem:s1] =	stream.indirect.scatter.add.f32 [tilespmem:s8], [sflag:$0x1], $0x1, s25, s7, $0xb8;
	[tilespmem:$0x1580] =	vst v63  }
0x8a: {  	_ =	swait.ge [sflag:s12], $0x50  }
0x8b: {  	[sflag:s12] =	ssyncset.done $0x0  }
0x8c: {  	s26 =	simm.s32 $0x1000;
	[sflag:s12] =	ssyncadd.s32 $0xFFFFFFB0  }
0x8d: {  	[spmem:s1] =	stream.indirect.scatter.add.f32 [tilespmem:s8], [sflag:$0x2], $0x1, s26, s7, $0xb8;
	[tilespmem:$0x1580] =	vst v63  }
0x8e: {  	_ =	swait.ge [sflag:s10], $0x50  }
0x8f: {  	[sflag:s10] =	ssyncset.done $0x0  }
0x90: {  	s28 =	simm.s32 $0x1080;
	[sflag:s10] =	ssyncadd.s32 $0xFFFFFFB0  }
0x91: {  	[spmem:s1] =	stream.indirect.scatter.add.f32 [tilespmem:s8], [sflag:$0x1], $0x1, s28, s7, $0xb8;
	[tilespmem:$0x1580] =	vst v63  }
0x92: {  	_ =	swait.ge [sflag:s12], $0x50  }
0x93: {  	[sflag:s12] =	ssyncset.done $0x0  }
0x94: {  	s29 =	simm.s32 $0x1100;
	[sflag:s12] =	ssyncadd.s32 $0xFFFFFFB0  }
0x95: {  	[spmem:s1] =	stream.indirect.scatter.add.f32 [tilespmem:s8], [sflag:$0x2], $0x1, s29, s7, $0xb8;
	[tilespmem:$0x1580] =	vst v63  }
0x96: {  	_ =	swait.ge [sflag:s10], $0x50  }
0x97: {  	[sflag:s10] =	ssyncset.done $0x0  }
0x98: {  	s30 =	simm.s32 $0x1180;
	[sflag:s10] =	ssyncadd.s32 $0xFFFFFFB0  }
0x99: {  	[spmem:s1] =	stream.indirect.scatter.add.f32 [tilespmem:s8], [sflag:$0x1], $0x1, s30, s7, $0xb8;
	[tilespmem:$0x1580] =	vst v63  }
0x9a: {  	_ =	swait.ge [sflag:s12], $0x50  }
0x9b: {  	[sflag:s12] =	ssyncset.done $0x0  }
0x9c: {  	[sflag:s12] =	ssyncadd.s32 $0xFFFFFFB0  }
0x9d: {  	_ =	swait.ge [sflag:s10], $0x50  }
0x9e: {  	[sflag:s10] =	ssyncset.done $0x0  }
0x9f: {  	s3 =	simm.s32 $0x0;
	s9 =	rddreg [dreg:$0x5];
	[sflag:s10] =	ssyncadd.s32 $0xFFFFFFB0  }
0xa0: {  	[tilespmem:s2], [sflag:$0x3] =	stream.linear.gather [hbm4b:s9+s3], $0xC80, $0x38;
	[tilespmem:$0x1580] =	vst v63  }
0xa1: {  	_ =	swait.ge [sflag:s4], $0xC80  }
0xa2: {  	[sflag:s4] =	ssyncset.done $0x0  }
0xa3: {  	[sflag:s4] =	ssyncadd.s32 $0xFFFFF380  }
0xa4: {  	[spmem:s1] =	stream.indirect.scatter.add.f32 [tilespmem:s8], [sflag:$0x1], $0x1, s2, s7, $0xb8;
	[tilespmem:$0x1580] =	vst v63  }
0xa5: {  	s31 =	simm.s32 $0x600  }
0xa6: {  	[spmem:s1] =	stream.indirect.scatter.add.f32 [tilespmem:s8], [sflag:$0x2], $0x1, s31, s7, $0xb8;
	[tilespmem:$0x1580] =	vst v63  }
0xa7: {  	_ =	swait.ge [sflag:s10], $0x50  }
0xa8: {  	[sflag:s10] =	ssyncset.done $0x0  }
0xa9: {  	s3 =	simm.s32 $0x680;
	[sflag:s10] =	ssyncadd.s32 $0xFFFFFFB0  }
0xaa: {  	[spmem:s1] =	stream.indirect.scatter.add.f32 [tilespmem:s8], [sflag:$0x1], $0x1, s3, s7, $0xb8;
	[tilespmem:$0x1580] =	vst v63  }
0xab: {  	_ =	swait.ge [sflag:s12], $0x50  }
0xac: {  	[sflag:s12] =	ssyncset.done $0x0  }
0xad: {  	s5 =	simm.s32 $0x700;
	[sflag:s12] =	ssyncadd.s32 $0xFFFFFFB0  }
0xae: {  	[spmem:s1] =	stream.indirect.scatter.add.f32 [tilespmem:s8], [sflag:$0x2], $0x1, s5, s7, $0xb8;
	[tilespmem:$0x1580] =	vst v63  }
0xaf: {  	_ =	swait.ge [sflag:s10], $0x50  }
0xb0: {  	[sflag:s10] =	ssyncset.done $0x0  }
0xb1: {  	s6 =	simm.s32 $0x780;
	[sflag:s10] =	ssyncadd.s32 $0xFFFFFFB0  }
0xb2: {  	[spmem:s1] =	stream.indirect.scatter.add.f32 [tilespmem:s8], [sflag:$0x1], $0x1, s6, s7, $0xb8;
	[tilespmem:$0x1580] =	vst v63  }
0xb3: {  	_ =	swait.ge [sflag:s12], $0x50  }
0xb4: {  	[sflag:s12] =	ssyncset.done $0x0  }
0xb5: {  	s11 =	simm.s32 $0x800;
	[sflag:s12] =	ssyncadd.s32 $0xFFFFFFB0  }
0xb6: {  	[spmem:s1] =	stream.indirect.scatter.add.f32 [tilespmem:s8], [sflag:$0x2], $0x1, s11, s7, $0xb8;
	[tilespmem:$0x1580] =	vst v63  }
0xb7: {  	_ =	swait.ge [sflag:s10], $0x50  }
0xb8: {  	[sflag:s10] =	ssyncset.done $0x0  }
0xb9: {  	s13 =	simm.s32 $0x880;
	[sflag:s10] =	ssyncadd.s32 $0xFFFFFFB0  }
0xba: {  	[spmem:s1] =	stream.indirect.scatter.add.f32 [tilespmem:s8], [sflag:$0x1], $0x1, s13, s7, $0xb8;
	[tilespmem:$0x1580] =	vst v63  }
0xbb: {  	_ =	swait.ge [sflag:s12], $0x50  }
0xbc: {  	[sflag:s12] =	ssyncset.done $0x0  }
0xbd: {  	s14 =	simm.s32 $0x900;
	[sflag:s12] =	ssyncadd.s32 $0xFFFFFFB0  }
0xbe: {  	[spmem:s1] =	stream.indirect.scatter.add.f32 [tilespmem:s8], [sflag:$0x2], $0x1, s14, s7, $0xb8;
	[tilespmem:$0x1580] =	vst v63  }
0xbf: {  	_ =	swait.ge [sflag:s10], $0x50  }
0xc0: {  	[sflag:s10] =	ssyncset.done $0x0  }
0xc1: {  	s15 =	simm.s32 $0x980;
	[sflag:s10] =	ssyncadd.s32 $0xFFFFFFB0  }
0xc2: {  	[spmem:s1] =	stream.indirect.scatter.add.f32 [tilespmem:s8], [sflag:$0x1], $0x1, s15, s7, $0xb8;
	[tilespmem:$0x1580] =	vst v63  }
0xc3: {  	_ =	swait.ge [sflag:s12], $0x50  }
0xc4: {  	[sflag:s12] =	ssyncset.done $0x0  }
0xc5: {  	s16 =	simm.s32 $0xA00;
	[sflag:s12] =	ssyncadd.s32 $0xFFFFFFB0  }
0xc6: {  	[spmem:s1] =	stream.indirect.scatter.add.f32 [tilespmem:s8], [sflag:$0x2], $0x1, s16, s7, $0xb8;
	[tilespmem:$0x1580] =	vst v63  }
0xc7: {  	_ =	swait.ge [sflag:s10], $0x50  }
0xc8: {  	[sflag:s10] =	ssyncset.done $0x0  }
0xc9: {  	s17 =	simm.s32 $0xA80;
	[sflag:s10] =	ssyncadd.s32 $0xFFFFFFB0  }
0xca: {  	[spmem:s1] =	stream.indirect.scatter.add.f32 [tilespmem:s8], [sflag:$0x1], $0x1, s17, s7, $0xb8;
	[tilespmem:$0x1580] =	vst v63  }
0xcb: {  	_ =	swait.ge [sflag:s12], $0x50  }
0xcc: {  	[sflag:s12] =	ssyncset.done $0x0  }
0xcd: {  	s18 =	simm.s32 $0xB00;
	[sflag:s12] =	ssyncadd.s32 $0xFFFFFFB0  }
0xce: {  	[spmem:s1] =	stream.indirect.scatter.add.f32 [tilespmem:s8], [sflag:$0x2], $0x1, s18, s7, $0xb8;
	[tilespmem:$0x1580] =	vst v63  }
0xcf: {  	_ =	swait.ge [sflag:s10], $0x50  }
0xd0: {  	[sflag:s10] =	ssyncset.done $0x0  }
0xd1: {  	s19 =	simm.s32 $0xB80;
	[sflag:s10] =	ssyncadd.s32 $0xFFFFFFB0  }
0xd2: {  	[spmem:s1] =	stream.indirect.scatter.add.f32 [tilespmem:s8], [sflag:$0x1], $0x1, s19, s7, $0xb8;
	[tilespmem:$0x1580] =	vst v63  }
0xd3: {  	_ =	swait.ge [sflag:s12], $0x50  }
0xd4: {  	[sflag:s12] =	ssyncset.done $0x0  }
0xd5: {  	s20 =	simm.s32 $0xC00;
	[sflag:s12] =	ssyncadd.s32 $0xFFFFFFB0  }
0xd6: {  	[spmem:s1] =	stream.indirect.scatter.add.f32 [tilespmem:s8], [sflag:$0x2], $0x1, s20, s7, $0xb8;
	[tilespmem:$0x1580] =	vst v63  }
0xd7: {  	_ =	swait.ge [sflag:s10], $0x50  }
0xd8: {  	[sflag:s10] =	ssyncset.done $0x0  }
0xd9: {  	s21 =	simm.s32 $0xC80;
	[sflag:s10] =	ssyncadd.s32 $0xFFFFFFB0  }
0xda: {  	[spmem:s1] =	stream.indirect.scatter.add.f32 [tilespmem:s8], [sflag:$0x1], $0x1, s21, s7, $0xb8;
	[tilespmem:$0x1580] =	vst v63  }
0xdb: {  	_ =	swait.ge [sflag:s12], $0x50  }
0xdc: {  	[sflag:s12] =	ssyncset.done $0x0  }
0xdd: {  	s22 =	simm.s32 $0xD00;
	[sflag:s12] =	ssyncadd.s32 $0xFFFFFFB0  }
0xde: {  	[spmem:s1] =	stream.indirect.scatter.add.f32 [tilespmem:s8], [sflag:$0x2], $0x1, s22, s7, $0xb8;
	[tilespmem:$0x1580] =	vst v63  }
0xdf: {  	_ =	swait.ge [sflag:s10], $0x50  }
0xe0: {  	[sflag:s10] =	ssyncset.done $0x0  }
0xe1: {  	s23 =	simm.s32 $0xD80;
	[sflag:s10] =	ssyncadd.s32 $0xFFFFFFB0  }
0xe2: {  	[spmem:s1] =	stream.indirect.scatter.add.f32 [tilespmem:s8], [sflag:$0x1], $0x1, s23, s7, $0xb8;
	[tilespmem:$0x1580] =	vst v63  }
0xe3: {  	_ =	swait.ge [sflag:s12], $0x50  }
0xe4: {  	[sflag:s12] =	ssyncset.done $0x0  }
0xe5: {  	s24 =	simm.s32 $0xE00;
	[sflag:s12] =	ssyncadd.s32 $0xFFFFFFB0  }
0xe6: {  	[spmem:s1] =	stream.indirect.scatter.add.f32 [tilespmem:s8], [sflag:$0x2], $0x1, s24, s7, $0xb8;
	[tilespmem:$0x1580] =	vst v63  }
0xe7: {  	_ =	swait.ge [sflag:s10], $0x50  }
0xe8: {  	[sflag:s10] =	ssyncset.done $0x0  }
0xe9: {  	s25 =	simm.s32 $0xE80;
	[sflag:s10] =	ssyncadd.s32 $0xFFFFFFB0  }
0xea: {  	[spmem:s1] =	stream.indirect.scatter.add.f32 [tilespmem:s8], [sflag:$0x1], $0x1, s25, s7, $0xb8;
	[tilespmem:$0x1580] =	vst v63  }
0xeb: {  	_ =	swait.ge [sflag:s12], $0x50  }
0xec: {  	[sflag:s12] =	ssyncset.done $0x0  }
0xed: {  	s26 =	simm.s32 $0xF00;
	[sflag:s12] =	ssyncadd.s32 $0xFFFFFFB0  }
0xee: {  	[spmem:s1] =	stream.indirect.scatter.add.f32 [tilespmem:s8], [sflag:$0x2], $0x1, s26, s7, $0xb8;
	[tilespmem:$0x1580] =	vst v63  }
0xef: {  	_ =	swait.ge [sflag:s10], $0x50  }
0xf0: {  	[sflag:s10] =	ssyncset.done $0x0  }
0xf1: {  	s28 =	simm.s32 $0xF80;
	[sflag:s10] =	ssyncadd.s32 $0xFFFFFFB0  }
0xf2: {  	[spmem:s1] =	stream.indirect.scatter.add.f32 [tilespmem:s8], [sflag:$0x1], $0x1, s28, s7, $0xb8;
	[tilespmem:$0x1580] =	vst v63  }
0xf3: {  	_ =	swait.ge [sflag:s12], $0x50  }
0xf4: {  	[sflag:s12] =	ssyncset.done $0x0  }
0xf5: {  	s29 =	simm.s32 $0x1000;
	[sflag:s12] =	ssyncadd.s32 $0xFFFFFFB0  }
0xf6: {  	[spmem:s1] =	stream.indirect.scatter.add.f32 [tilespmem:s8], [sflag:$0x2], $0x1, s29, s7, $0xb8;
	[tilespmem:$0x1580] =	vst v63  }
0xf7: {  	_ =	swait.ge [sflag:s10], $0x50  }
0xf8: {  	[sflag:s10] =	ssyncset.done $0x0  }
0xf9: {  	s30 =	simm.s32 $0x1080;
	[sflag:s10] =	ssyncadd.s32 $0xFFFFFFB0  }
0xfa: {  	[spmem:s1] =	stream.indirect.scatter.add.f32 [tilespmem:s8], [sflag:$0x1], $0x1, s30, s7, $0xb8;
	[tilespmem:$0x1580] =	vst v63  }
0xfb: {  	_ =	swait.ge [sflag:s12], $0x50  }
0xfc: {  	[sflag:s12] =	ssyncset.done $0x0  }
0xfd: {  	s31 =	simm.s32 $0x1100;
	[sflag:s12] =	ssyncadd.s32 $0xFFFFFFB0  }
0xfe: {  	[spmem:s1] =	stream.indirect.scatter.add.f32 [tilespmem:s8], [sflag:$0x2], $0x1, s31, s7, $0xb8;
	[tilespmem:$0x1580] =	vst v63  }
0xff: {  	_ =	swait.ge [sflag:s10], $0x50  }
0x100: {  	[sflag:s10] =	ssyncset.done $0x0  }
0x101: {  	s0 =	simm.s32 $0x1180;
	[sflag:s10] =	ssyncadd.s32 $0xFFFFFFB0  }
0x102: {  	[spmem:s1] =	stream.indirect.scatter.add.f32 [tilespmem:s8], [sflag:$0x1], $0x1, s0, s7, $0xb8;
	[tilespmem:$0x1580] =	vst v63  }
0x103: {  	_ =	swait.ge [sflag:s12], $0x50  }
0x104: {  	[sflag:s12] =	ssyncset.done $0x0  }
0x105: {  	[sflag:s12] =	ssyncadd.s32 $0xFFFFFFB0  }
0x106: {  	_ =	swait.ge [sflag:s10], $0x50  }
0x107: {  	[sflag:s10] =	ssyncset.done $0x0  }
0x108: {  	s0 =	simm.s32 $0x0;
	s9 =	rddreg [dreg:$0x6];
	[sflag:s10] =	ssyncadd.s32 $0xFFFFFFB0  }
0x109: {  	[tilespmem:s2], [sflag:$0x3] =	stream.linear.gather [hbm4b:s9+s0], $0xC80, $0x38;
	[tilespmem:$0x1580] =	vst v63  }
0x10a: {  	_ =	swait.ge [sflag:s4], $0xC80  }
0x10b: {  	[sflag:s4] =	ssyncset.done $0x0  }
0x10c: {  	[sflag:s4] =	ssyncadd.s32 $0xFFFFF380  }
0x10d: {  	[spmem:s1] =	stream.indirect.scatter.add.f32 [tilespmem:s8], [sflag:$0x1], $0x1, s2, s7, $0xb8;
	[tilespmem:$0x1580] =	vst v63  }
0x10e: {  	s9 =	simm.s32 $0x600  }
0x10f: {  	[spmem:s1] =	stream.indirect.scatter.add.f32 [tilespmem:s8], [sflag:$0x2], $0x1, s9, s7, $0xb8;
	[tilespmem:$0x1580] =	vst v63  }
0x110: {  	_ =	swait.ge [sflag:s10], $0x50  }
0x111: {  	[sflag:s10] =	ssyncset.done $0x0  }
0x112: {  	[sflag:s10] =	ssyncadd.s32 $0xFFFFFFB0  }
0x113: {  	[spmem:s1] =	stream.indirect.scatter.add.f32 [tilespmem:s8], [sflag:$0x1], $0x1, s3, s7, $0xb8;
	[tilespmem:$0x1580] =	vst v63  }
0x114: {  	_ =	swait.ge [sflag:s12], $0x50  }
0x115: {  	[sflag:s12] =	ssyncset.done $0x0  }
0x116: {  	[sflag:s12] =	ssyncadd.s32 $0xFFFFFFB0  }
0x117: {  	[spmem:s1] =	stream.indirect.scatter.add.f32 [tilespmem:s8], [sflag:$0x2], $0x1, s5, s7, $0xb8;
	[tilespmem:$0x1580] =	vst v63  }
0x118: {  	_ =	swait.ge [sflag:s10], $0x50  }
0x119: {  	[sflag:s10] =	ssyncset.done $0x0  }
0x11a: {  	[sflag:s10] =	ssyncadd.s32 $0xFFFFFFB0  }
0x11b: {  	[spmem:s1] =	stream.indirect.scatter.add.f32 [tilespmem:s8], [sflag:$0x1], $0x1, s6, s7, $0xb8;
	[tilespmem:$0x1580] =	vst v63  }
0x11c: {  	_ =	swait.ge [sflag:s12], $0x50  }
0x11d: {  	[sflag:s12] =	ssyncset.done $0x0  }
0x11e: {  	[sflag:s12] =	ssyncadd.s32 $0xFFFFFFB0  }
0x11f: {  	[spmem:s1] =	stream.indirect.scatter.add.f32 [tilespmem:s8], [sflag:$0x2], $0x1, s11, s7, $0xb8;
	[tilespmem:$0x1580] =	vst v63  }
0x120: {  	_ =	swait.ge [sflag:s10], $0x50  }
0x121: {  	[sflag:s10] =	ssyncset.done $0x0  }
0x122: {  	[sflag:s10] =	ssyncadd.s32 $0xFFFFFFB0  }
0x123: {  	[spmem:s1] =	stream.indirect.scatter.add.f32 [tilespmem:s8], [sflag:$0x1], $0x1, s13, s7, $0xb8;
	[tilespmem:$0x1580] =	vst v63  }
0x124: {  	_ =	swait.ge [sflag:s12], $0x50  }
0x125: {  	[sflag:s12] =	ssyncset.done $0x0  }
0x126: {  	[sflag:s12] =	ssyncadd.s32 $0xFFFFFFB0  }
0x127: {  	[spmem:s1] =	stream.indirect.scatter.add.f32 [tilespmem:s8], [sflag:$0x2], $0x1, s14, s7, $0xb8;
	[tilespmem:$0x1580] =	vst v63  }
0x128: {  	_ =	swait.ge [sflag:s10], $0x50  }
0x129: {  	[sflag:s10] =	ssyncset.done $0x0  }
0x12a: {  	[sflag:s10] =	ssyncadd.s32 $0xFFFFFFB0  }
0x12b: {  	[spmem:s1] =	stream.indirect.scatter.add.f32 [tilespmem:s8], [sflag:$0x1], $0x1, s15, s7, $0xb8;
	[tilespmem:$0x1580] =	vst v63  }
0x12c: {  	_ =	swait.ge [sflag:s12], $0x50  }
0x12d: {  	[sflag:s12] =	ssyncset.done $0x0  }
0x12e: {  	[sflag:s12] =	ssyncadd.s32 $0xFFFFFFB0  }
0x12f: {  	[spmem:s1] =	stream.indirect.scatter.add.f32 [tilespmem:s8], [sflag:$0x2], $0x1, s16, s7, $0xb8;
	[tilespmem:$0x1580] =	vst v63  }
0x130: {  	_ =	swait.ge [sflag:s10], $0x50  }
0x131: {  	[sflag:s10] =	ssyncset.done $0x0  }
0x132: {  	[sflag:s10] =	ssyncadd.s32 $0xFFFFFFB0  }
0x133: {  	[spmem:s1] =	stream.indirect.scatter.add.f32 [tilespmem:s8], [sflag:$0x1], $0x1, s17, s7, $0xb8;
	[tilespmem:$0x1580] =	vst v63  }
0x134: {  	_ =	swait.ge [sflag:s12], $0x50  }
0x135: {  	[sflag:s12] =	ssyncset.done $0x0  }
0x136: {  	[sflag:s12] =	ssyncadd.s32 $0xFFFFFFB0  }
0x137: {  	[spmem:s1] =	stream.indirect.scatter.add.f32 [tilespmem:s8], [sflag:$0x2], $0x1, s18, s7, $0xb8;
	[tilespmem:$0x1580] =	vst v63  }
0x138: {  	_ =	swait.ge [sflag:s10], $0x50  }
0x139: {  	[sflag:s10] =	ssyncset.done $0x0  }
0x13a: {  	[sflag:s10] =	ssyncadd.s32 $0xFFFFFFB0  }
0x13b: {  	[spmem:s1] =	stream.indirect.scatter.add.f32 [tilespmem:s8], [sflag:$0x1], $0x1, s19, s7, $0xb8;
	[tilespmem:$0x1580] =	vst v63  }
0x13c: {  	_ =	swait.ge [sflag:s12], $0x50  }
0x13d: {  	[sflag:s12] =	ssyncset.done $0x0  }
0x13e: {  	[sflag:s12] =	ssyncadd.s32 $0xFFFFFFB0  }
0x13f: {  	[spmem:s1] =	stream.indirect.scatter.add.f32 [tilespmem:s8], [sflag:$0x2], $0x1, s20, s7, $0xb8;
	[tilespmem:$0x1580] =	vst v63  }
0x140: {  	_ =	swait.ge [sflag:s10], $0x50  }
0x141: {  	[sflag:s10] =	ssyncset.done $0x0  }
0x142: {  	[sflag:s10] =	ssyncadd.s32 $0xFFFFFFB0  }
0x143: {  	[spmem:s1] =	stream.indirect.scatter.add.f32 [tilespmem:s8], [sflag:$0x1], $0x1, s21, s7, $0xb8;
	[tilespmem:$0x1580] =	vst v63  }
0x144: {  	_ =	swait.ge [sflag:s12], $0x50  }
0x145: {  	[sflag:s12] =	ssyncset.done $0x0  }
0x146: {  	[sflag:s12] =	ssyncadd.s32 $0xFFFFFFB0  }
0x147: {  	[spmem:s1] =	stream.indirect.scatter.add.f32 [tilespmem:s8], [sflag:$0x2], $0x1, s22, s7, $0xb8;
	[tilespmem:$0x1580] =	vst v63  }
0x148: {  	_ =	swait.ge [sflag:s10], $0x50  }
0x149: {  	[sflag:s10] =	ssyncset.done $0x0  }
0x14a: {  	[sflag:s10] =	ssyncadd.s32 $0xFFFFFFB0  }
0x14b: {  	[spmem:s1] =	stream.indirect.scatter.add.f32 [tilespmem:s8], [sflag:$0x1], $0x1, s23, s7, $0xb8;
	[tilespmem:$0x1580] =	vst v63  }
0x14c: {  	_ =	swait.ge [sflag:s12], $0x50  }
0x14d: {  	[sflag:s12] =	ssyncset.done $0x0  }
0x14e: {  	[sflag:s12] =	ssyncadd.s32 $0xFFFFFFB0  }
0x14f: {  	[spmem:s1] =	stream.indirect.scatter.add.f32 [tilespmem:s8], [sflag:$0x2], $0x1, s24, s7, $0xb8;
	[tilespmem:$0x1580] =	vst v63  }
0x150: {  	_ =	swait.ge [sflag:s10], $0x50  }
0x151: {  	[sflag:s10] =	ssyncset.done $0x0  }
0x152: {  	[sflag:s10] =	ssyncadd.s32 $0xFFFFFFB0  }
0x153: {  	[spmem:s1] =	stream.indirect.scatter.add.f32 [tilespmem:s8], [sflag:$0x1], $0x1, s25, s7, $0xb8;
	[tilespmem:$0x1580] =	vst v63  }
0x154: {  	_ =	swait.ge [sflag:s12], $0x50  }
0x155: {  	[sflag:s12] =	ssyncset.done $0x0  }
0x156: {  	[sflag:s12] =	ssyncadd.s32 $0xFFFFFFB0  }
0x157: {  	[spmem:s1] =	stream.indirect.scatter.add.f32 [tilespmem:s8], [sflag:$0x2], $0x1, s26, s7, $0xb8;
	[tilespmem:$0x1580] =	vst v63  }
0x158: {  	_ =	swait.ge [sflag:s10], $0x50  }
0x159: {  	[sflag:s10] =	ssyncset.done $0x0  }
0x15a: {  	[sflag:s10] =	ssyncadd.s32 $0xFFFFFFB0  }
0x15b: {  	[spmem:s1] =	stream.indirect.scatter.add.f32 [tilespmem:s8], [sflag:$0x1], $0x1, s28, s7, $0xb8;
	[tilespmem:$0x1580] =	vst v63  }
0x15c: {  	_ =	swait.ge [sflag:s12], $0x50  }
0x15d: {  	[sflag:s12] =	ssyncset.done $0x0  }
0x15e: {  	[sflag:s12] =	ssyncadd.s32 $0xFFFFFFB0  }
0x15f: {  	[spmem:s1] =	stream.indirect.scatter.add.f32 [tilespmem:s8], [sflag:$0x2], $0x1, s29, s7, $0xb8;
	[tilespmem:$0x1580] =	vst v63  }
0x160: {  	_ =	swait.ge [sflag:s10], $0x50  }
0x161: {  	[sflag:s10] =	ssyncset.done $0x0  }
0x162: {  	[sflag:s10] =	ssyncadd.s32 $0xFFFFFFB0  }
0x163: {  	[spmem:s1] =	stream.indirect.scatter.add.f32 [tilespmem:s8], [sflag:$0x1], $0x1, s30, s7, $0xb8;
	[tilespmem:$0x1580] =	vst v63  }
0x164: {  	_ =	swait.ge [sflag:s12], $0x50  }
0x165: {  	[sflag:s12] =	ssyncset.done $0x0  }
0x166: {  	[sflag:s12] =	ssyncadd.s32 $0xFFFFFFB0  }
0x167: {  	[spmem:s1] =	stream.indirect.scatter.add.f32 [tilespmem:s8], [sflag:$0x2], $0x1, s31, s7, $0xb8;
	[tilespmem:$0x1580] =	vst v63  }
0x168: {  	_ =	swait.ge [sflag:s10], $0x50  }
0x169: {  	[sflag:s10] =	ssyncset.done $0x0  }
0x16a: {  	s9 =	simm.s32 $0x1180;
	[sflag:s10] =	ssyncadd.s32 $0xFFFFFFB0  }
0x16b: {  	[spmem:s1] =	stream.indirect.scatter.add.f32 [tilespmem:s8], [sflag:$0x1], $0x1, s9, s7, $0xb8;
	[tilespmem:$0x1580] =	vst v63  }
0x16c: {  	_ =	swait.ge [sflag:s12], $0x50  }
0x16d: {  	[sflag:s12] =	ssyncset.done $0x0  }
0x16e: {  	[sflag:s12] =	ssyncadd.s32 $0xFFFFFFB0  }
0x16f: {  	_ =	swait.ge [sflag:s10], $0x50  }
0x170: {  	[sflag:s10] =	ssyncset.done $0x0  }
0x171: {  	s0 =	simm.s32 $0x0;
	s9 =	rddreg [dreg:$0x7];
	[sflag:s10] =	ssyncadd.s32 $0xFFFFFFB0  }
0x172: {  	[tilespmem:s2], [sflag:$0x3] =	stream.linear.gather [hbm4b:s9+s0], $0xC80, $0x38;
	[tilespmem:$0x1580] =	vst v63  }
0x173: {  	_ =	swait.ge [sflag:s4], $0xC80  }
0x174: {  	[sflag:s4] =	ssyncset.done $0x0  }
0x175: {  	[sflag:s4] =	ssyncadd.s32 $0xFFFFF380  }
0x176: {  	[spmem:s1] =	stream.indirect.scatter.add.f32 [tilespmem:s8], [sflag:$0x1], $0x1, s2, s7, $0xb8;
	[tilespmem:$0x1580] =	vst v63  }
0x177: {  	s9 =	simm.s32 $0x600  }
0x178: {  	[spmem:s1] =	stream.indirect.scatter.add.f32 [tilespmem:s8], [sflag:$0x2], $0x1, s9, s7, $0xb8;
	[tilespmem:$0x1580] =	vst v63  }
0x179: {  	_ =	swait.ge [sflag:s10], $0x50  }
0x17a: {  	[sflag:s10] =	ssyncset.done $0x0  }
0x17b: {  	s3 =	simm.s32 $0x680;
	[sflag:s10] =	ssyncadd.s32 $0xFFFFFFB0  }
0x17c: {  	[spmem:s1] =	stream.indirect.scatter.add.f32 [tilespmem:s8], [sflag:$0x1], $0x1, s3, s7, $0xb8;
	[tilespmem:$0x1580] =	vst v63  }
0x17d: {  	_ =	swait.ge [sflag:s12], $0x50  }
0x17e: {  	[sflag:s12] =	ssyncset.done $0x0  }
0x17f: {  	s5 =	simm.s32 $0x700;
	[sflag:s12] =	ssyncadd.s32 $0xFFFFFFB0  }
0x180: {  	[spmem:s1] =	stream.indirect.scatter.add.f32 [tilespmem:s8], [sflag:$0x2], $0x1, s5, s7, $0xb8;
	[tilespmem:$0x1580] =	vst v63  }
0x181: {  	_ =	swait.ge [sflag:s10], $0x50  }
0x182: {  	[sflag:s10] =	ssyncset.done $0x0  }
0x183: {  	s6 =	simm.s32 $0x780;
	[sflag:s10] =	ssyncadd.s32 $0xFFFFFFB0  }
0x184: {  	[spmem:s1] =	stream.indirect.scatter.add.f32 [tilespmem:s8], [sflag:$0x1], $0x1, s6, s7, $0xb8;
	[tilespmem:$0x1580] =	vst v63  }
0x185: {  	_ =	swait.ge [sflag:s12], $0x50  }
0x186: {  	[sflag:s12] =	ssyncset.done $0x0  }
0x187: {  	s11 =	simm.s32 $0x800;
	[sflag:s12] =	ssyncadd.s32 $0xFFFFFFB0  }
0x188: {  	[spmem:s1] =	stream.indirect.scatter.add.f32 [tilespmem:s8], [sflag:$0x2], $0x1, s11, s7, $0xb8;
	[tilespmem:$0x1580] =	vst v63  }
0x189: {  	_ =	swait.ge [sflag:s10], $0x50  }
0x18a: {  	[sflag:s10] =	ssyncset.done $0x0  }
0x18b: {  	s13 =	simm.s32 $0x880;
	[sflag:s10] =	ssyncadd.s32 $0xFFFFFFB0  }
0x18c: {  	[spmem:s1] =	stream.indirect.scatter.add.f32 [tilespmem:s8], [sflag:$0x1], $0x1, s13, s7, $0xb8;
	[tilespmem:$0x1580] =	vst v63  }
0x18d: {  	_ =	swait.ge [sflag:s12], $0x50  }
0x18e: {  	[sflag:s12] =	ssyncset.done $0x0  }
0x18f: {  	s14 =	simm.s32 $0x900;
	[sflag:s12] =	ssyncadd.s32 $0xFFFFFFB0  }
0x190: {  	[spmem:s1] =	stream.indirect.scatter.add.f32 [tilespmem:s8], [sflag:$0x2], $0x1, s14, s7, $0xb8;
	[tilespmem:$0x1580] =	vst v63  }
0x191: {  	_ =	swait.ge [sflag:s10], $0x50  }
0x192: {  	[sflag:s10] =	ssyncset.done $0x0  }
0x193: {  	s15 =	simm.s32 $0x980;
	[sflag:s10] =	ssyncadd.s32 $0xFFFFFFB0  }
0x194: {  	[spmem:s1] =	stream.indirect.scatter.add.f32 [tilespmem:s8], [sflag:$0x1], $0x1, s15, s7, $0xb8;
	[tilespmem:$0x1580] =	vst v63  }
0x195: {  	_ =	swait.ge [sflag:s12], $0x50  }
0x196: {  	[sflag:s12] =	ssyncset.done $0x0  }
0x197: {  	s16 =	simm.s32 $0xA00;
	[sflag:s12] =	ssyncadd.s32 $0xFFFFFFB0  }
0x198: {  	[spmem:s1] =	stream.indirect.scatter.add.f32 [tilespmem:s8], [sflag:$0x2], $0x1, s16, s7, $0xb8;
	[tilespmem:$0x1580] =	vst v63  }
0x199: {  	_ =	swait.ge [sflag:s10], $0x50  }
0x19a: {  	[sflag:s10] =	ssyncset.done $0x0  }
0x19b: {  	s17 =	simm.s32 $0xA80;
	[sflag:s10] =	ssyncadd.s32 $0xFFFFFFB0  }
0x19c: {  	[spmem:s1] =	stream.indirect.scatter.add.f32 [tilespmem:s8], [sflag:$0x1], $0x1, s17, s7, $0xb8;
	[tilespmem:$0x1580] =	vst v63  }
0x19d: {  	_ =	swait.ge [sflag:s12], $0x50  }
0x19e: {  	[sflag:s12] =	ssyncset.done $0x0  }
0x19f: {  	s18 =	simm.s32 $0xB00;
	[sflag:s12] =	ssyncadd.s32 $0xFFFFFFB0  }
0x1a0: {  	[spmem:s1] =	stream.indirect.scatter.add.f32 [tilespmem:s8], [sflag:$0x2], $0x1, s18, s7, $0xb8;
	[tilespmem:$0x1580] =	vst v63  }
0x1a1: {  	_ =	swait.ge [sflag:s10], $0x50  }
0x1a2: {  	[sflag:s10] =	ssyncset.done $0x0  }
0x1a3: {  	s19 =	simm.s32 $0xB80;
	[sflag:s10] =	ssyncadd.s32 $0xFFFFFFB0  }
0x1a4: {  	[spmem:s1] =	stream.indirect.scatter.add.f32 [tilespmem:s8], [sflag:$0x1], $0x1, s19, s7, $0xb8;
	[tilespmem:$0x1580] =	vst v63  }
0x1a5: {  	_ =	swait.ge [sflag:s12], $0x50  }
0x1a6: {  	[sflag:s12] =	ssyncset.done $0x0  }
0x1a7: {  	s20 =	simm.s32 $0xC00;
	[sflag:s12] =	ssyncadd.s32 $0xFFFFFFB0  }
0x1a8: {  	[spmem:s1] =	stream.indirect.scatter.add.f32 [tilespmem:s8], [sflag:$0x2], $0x1, s20, s7, $0xb8;
	[tilespmem:$0x1580] =	vst v63  }
0x1a9: {  	_ =	swait.ge [sflag:s10], $0x50  }
0x1aa: {  	[sflag:s10] =	ssyncset.done $0x0  }
0x1ab: {  	s21 =	simm.s32 $0xC80;
	[sflag:s10] =	ssyncadd.s32 $0xFFFFFFB0  }
0x1ac: {  	[spmem:s1] =	stream.indirect.scatter.add.f32 [tilespmem:s8], [sflag:$0x1], $0x1, s21, s7, $0xb8;
	[tilespmem:$0x1580] =	vst v63  }
0x1ad: {  	_ =	swait.ge [sflag:s12], $0x50  }
0x1ae: {  	[sflag:s12] =	ssyncset.done $0x0  }
0x1af: {  	s22 =	simm.s32 $0xD00;
	[sflag:s12] =	ssyncadd.s32 $0xFFFFFFB0  }
0x1b0: {  	[spmem:s1] =	stream.indirect.scatter.add.f32 [tilespmem:s8], [sflag:$0x2], $0x1, s22, s7, $0xb8;
	[tilespmem:$0x1580] =	vst v63  }
0x1b1: {  	_ =	swait.ge [sflag:s10], $0x50  }
0x1b2: {  	[sflag:s10] =	ssyncset.done $0x0  }
0x1b3: {  	s23 =	simm.s32 $0xD80;
	[sflag:s10] =	ssyncadd.s32 $0xFFFFFFB0  }
0x1b4: {  	[spmem:s1] =	stream.indirect.scatter.add.f32 [tilespmem:s8], [sflag:$0x1], $0x1, s23, s7, $0xb8;
	[tilespmem:$0x1580] =	vst v63  }
0x1b5: {  	_ =	swait.ge [sflag:s12], $0x50  }
0x1b6: {  	[sflag:s12] =	ssyncset.done $0x0  }
0x1b7: {  	s24 =	simm.s32 $0xE00;
	[sflag:s12] =	ssyncadd.s32 $0xFFFFFFB0  }
0x1b8: {  	[spmem:s1] =	stream.indirect.scatter.add.f32 [tilespmem:s8], [sflag:$0x2], $0x1, s24, s7, $0xb8;
	[tilespmem:$0x1580] =	vst v63  }
0x1b9: {  	_ =	swait.ge [sflag:s10], $0x50  }
0x1ba: {  	[sflag:s10] =	ssyncset.done $0x0  }
0x1bb: {  	s25 =	simm.s32 $0xE80;
	[sflag:s10] =	ssyncadd.s32 $0xFFFFFFB0  }
0x1bc: {  	[spmem:s1] =	stream.indirect.scatter.add.f32 [tilespmem:s8], [sflag:$0x1], $0x1, s25, s7, $0xb8;
	[tilespmem:$0x1580] =	vst v63  }
0x1bd: {  	_ =	swait.ge [sflag:s12], $0x50  }
0x1be: {  	[sflag:s12] =	ssyncset.done $0x0  }
0x1bf: {  	s26 =	simm.s32 $0xF00;
	[sflag:s12] =	ssyncadd.s32 $0xFFFFFFB0  }
0x1c0: {  	[spmem:s1] =	stream.indirect.scatter.add.f32 [tilespmem:s8], [sflag:$0x2], $0x1, s26, s7, $0xb8;
	[tilespmem:$0x1580] =	vst v63  }
0x1c1: {  	_ =	swait.ge [sflag:s10], $0x50  }
0x1c2: {  	[sflag:s10] =	ssyncset.done $0x0  }
0x1c3: {  	s28 =	simm.s32 $0xF80;
	[sflag:s10] =	ssyncadd.s32 $0xFFFFFFB0  }
0x1c4: {  	[spmem:s1] =	stream.indirect.scatter.add.f32 [tilespmem:s8], [sflag:$0x1], $0x1, s28, s7, $0xb8;
	[tilespmem:$0x1580] =	vst v63  }
0x1c5: {  	_ =	swait.ge [sflag:s12], $0x50  }
0x1c6: {  	[sflag:s12] =	ssyncset.done $0x0  }
0x1c7: {  	s29 =	simm.s32 $0x1000;
	[sflag:s12] =	ssyncadd.s32 $0xFFFFFFB0  }
0x1c8: {  	[spmem:s1] =	stream.indirect.scatter.add.f32 [tilespmem:s8], [sflag:$0x2], $0x1, s29, s7, $0xb8;
	[tilespmem:$0x1580] =	vst v63  }
0x1c9: {  	_ =	swait.ge [sflag:s10], $0x50  }
0x1ca: {  	[sflag:s10] =	ssyncset.done $0x0  }
0x1cb: {  	s30 =	simm.s32 $0x1080;
	[sflag:s10] =	ssyncadd.s32 $0xFFFFFFB0  }
0x1cc: {  	[spmem:s1] =	stream.indirect.scatter.add.f32 [tilespmem:s8], [sflag:$0x1], $0x1, s30, s7, $0xb8;
	[tilespmem:$0x1580] =	vst v63  }
0x1cd: {  	_ =	swait.ge [sflag:s12], $0x50  }
0x1ce: {  	[sflag:s12] =	ssyncset.done $0x0  }
0x1cf: {  	s31 =	simm.s32 $0x1100;
	[sflag:s12] =	ssyncadd.s32 $0xFFFFFFB0  }
0x1d0: {  	[spmem:s1] =	stream.indirect.scatter.add.f32 [tilespmem:s8], [sflag:$0x2], $0x1, s31, s7, $0xb8;
	[tilespmem:$0x1580] =	vst v63  }
0x1d1: {  	_ =	swait.ge [sflag:s10], $0x50  }
0x1d2: {  	[sflag:s10] =	ssyncset.done $0x0  }
0x1d3: {  	s0 =	simm.s32 $0x1180;
	[sflag:s10] =	ssyncadd.s32 $0xFFFFFFB0  }
0x1d4: {  	[spmem:s1] =	stream.indirect.scatter.add.f32 [tilespmem:s8], [sflag:$0x1], $0x1, s0, s7, $0xb8;
	[tilespmem:$0x1580] =	vst v63  }
0x1d5: {  	_ =	swait.ge [sflag:s12], $0x50  }
0x1d6: {  	[sflag:s12] =	ssyncset.done $0x0  }
0x1d7: {  	[sflag:s12] =	ssyncadd.s32 $0xFFFFFFB0  }
0x1d8: {  	_ =	swait.ge [sflag:s10], $0x50  }
0x1d9: {  	[sflag:s10] =	ssyncset.done $0x0  }
0x1da: {  	s0 =	simm.s32 $0x0;
	s9 =	rddreg [dreg:$0x8];
	[sflag:s10] =	ssyncadd.s32 $0xFFFFFFB0  }
0x1db: {  	[tilespmem:s2], [sflag:$0x3] =	stream.linear.gather [hbm4b:s9+s0], $0xC80, $0x38;
	[tilespmem:$0x1580] =	vst v63  }
0x1dc: {  	_ =	swait.ge [sflag:s4], $0xC80  }
0x1dd: {  	[sflag:s4] =	ssyncset.done $0x0  }
0x1de: {  	[sflag:s4] =	ssyncadd.s32 $0xFFFFF380  }
0x1df: {  	[spmem:s1] =	stream.indirect.scatter.add.f32 [tilespmem:s8], [sflag:$0x1], $0x1, s2, s7, $0xb8;
	[tilespmem:$0x1580] =	vst v63  }
0x1e0: {  	s9 =	simm.s32 $0x600  }
0x1e1: {  	[spmem:s1] =	stream.indirect.scatter.add.f32 [tilespmem:s8], [sflag:$0x2], $0x1, s9, s7, $0xb8;
	[tilespmem:$0x1580] =	vst v63  }
0x1e2: {  	_ =	swait.ge [sflag:s10], $0x50  }
0x1e3: {  	[sflag:s10] =	ssyncset.done $0x0  }
0x1e4: {  	s3 =	simm.s32 $0x680;
	[sflag:s10] =	ssyncadd.s32 $0xFFFFFFB0  }
0x1e5: {  	[spmem:s1] =	stream.indirect.scatter.add.f32 [tilespmem:s8], [sflag:$0x1], $0x1, s3, s7, $0xb8;
	[tilespmem:$0x1580] =	vst v63  }
0x1e6: {  	_ =	swait.ge [sflag:s12], $0x50  }
0x1e7: {  	[sflag:s12] =	ssyncset.done $0x0  }
0x1e8: {  	s5 =	simm.s32 $0x700;
	[sflag:s12] =	ssyncadd.s32 $0xFFFFFFB0  }
0x1e9: {  	[spmem:s1] =	stream.indirect.scatter.add.f32 [tilespmem:s8], [sflag:$0x2], $0x1, s5, s7, $0xb8;
	[tilespmem:$0x1580] =	vst v63  }
0x1ea: {  	_ =	swait.ge [sflag:s10], $0x50  }
0x1eb: {  	[sflag:s10] =	ssyncset.done $0x0  }
0x1ec: {  	s6 =	simm.s32 $0x780;
	[sflag:s10] =	ssyncadd.s32 $0xFFFFFFB0  }
0x1ed: {  	[spmem:s1] =	stream.indirect.scatter.add.f32 [tilespmem:s8], [sflag:$0x1], $0x1, s6, s7, $0xb8;
	[tilespmem:$0x1580] =	vst v63  }
0x1ee: {  	_ =	swait.ge [sflag:s12], $0x50  }
0x1ef: {  	[sflag:s12] =	ssyncset.done $0x0  }
0x1f0: {  	s11 =	simm.s32 $0x800;
	[sflag:s12] =	ssyncadd.s32 $0xFFFFFFB0  }
0x1f1: {  	[spmem:s1] =	stream.indirect.scatter.add.f32 [tilespmem:s8], [sflag:$0x2], $0x1, s11, s7, $0xb8;
	[tilespmem:$0x1580] =	vst v63  }
0x1f2: {  	_ =	swait.ge [sflag:s10], $0x50  }
0x1f3: {  	[sflag:s10] =	ssyncset.done $0x0  }
0x1f4: {  	s13 =	simm.s32 $0x880;
	[sflag:s10] =	ssyncadd.s32 $0xFFFFFFB0  }
0x1f5: {  	[spmem:s1] =	stream.indirect.scatter.add.f32 [tilespmem:s8], [sflag:$0x1], $0x1, s13, s7, $0xb8;
	[tilespmem:$0x1580] =	vst v63  }
0x1f6: {  	_ =	swait.ge [sflag:s12], $0x50  }
0x1f7: {  	[sflag:s12] =	ssyncset.done $0x0  }
0x1f8: {  	s14 =	simm.s32 $0x900;
	[sflag:s12] =	ssyncadd.s32 $0xFFFFFFB0  }
0x1f9: {  	[spmem:s1] =	stream.indirect.scatter.add.f32 [tilespmem:s8], [sflag:$0x2], $0x1, s14, s7, $0xb8;
	[tilespmem:$0x1580] =	vst v63  }
0x1fa: {  	_ =	swait.ge [sflag:s10], $0x50  }
0x1fb: {  	[sflag:s10] =	ssyncset.done $0x0  }
0x1fc: {  	s15 =	simm.s32 $0x980;
	[sflag:s10] =	ssyncadd.s32 $0xFFFFFFB0  }
0x1fd: {  	[spmem:s1] =	stream.indirect.scatter.add.f32 [tilespmem:s8], [sflag:$0x1], $0x1, s15, s7, $0xb8;
	[tilespmem:$0x1580] =	vst v63  }
0x1fe: {  	_ =	swait.ge [sflag:s12], $0x50  }
0x1ff: {  	[sflag:s12] =	ssyncset.done $0x0  }
0x200: {  	s16 =	simm.s32 $0xA00;
	[sflag:s12] =	ssyncadd.s32 $0xFFFFFFB0  }
0x201: {  	[spmem:s1] =	stream.indirect.scatter.add.f32 [tilespmem:s8], [sflag:$0x2], $0x1, s16, s7, $0xb8;
	[tilespmem:$0x1580] =	vst v63  }
0x202: {  	_ =	swait.ge [sflag:s10], $0x50  }
0x203: {  	[sflag:s10] =	ssyncset.done $0x0  }
0x204: {  	s17 =	simm.s32 $0xA80;
	[sflag:s10] =	ssyncadd.s32 $0xFFFFFFB0  }
0x205: {  	[spmem:s1] =	stream.indirect.scatter.add.f32 [tilespmem:s8], [sflag:$0x1], $0x1, s17, s7, $0xb8;
	[tilespmem:$0x1580] =	vst v63  }
0x206: {  	_ =	swait.ge [sflag:s12], $0x50  }
0x207: {  	[sflag:s12] =	ssyncset.done $0x0  }
0x208: {  	s18 =	simm.s32 $0xB00;
	[sflag:s12] =	ssyncadd.s32 $0xFFFFFFB0  }
0x209: {  	[spmem:s1] =	stream.indirect.scatter.add.f32 [tilespmem:s8], [sflag:$0x2], $0x1, s18, s7, $0xb8;
	[tilespmem:$0x1580] =	vst v63  }
0x20a: {  	_ =	swait.ge [sflag:s10], $0x50  }
0x20b: {  	[sflag:s10] =	ssyncset.done $0x0  }
0x20c: {  	s19 =	simm.s32 $0xB80;
	[sflag:s10] =	ssyncadd.s32 $0xFFFFFFB0  }
0x20d: {  	[spmem:s1] =	stream.indirect.scatter.add.f32 [tilespmem:s8], [sflag:$0x1], $0x1, s19, s7, $0xb8;
	[tilespmem:$0x1580] =	vst v63  }
0x20e: {  	_ =	swait.ge [sflag:s12], $0x50  }
0x20f: {  	[sflag:s12] =	ssyncset.done $0x0  }
0x210: {  	s20 =	simm.s32 $0xC00;
	[sflag:s12] =	ssyncadd.s32 $0xFFFFFFB0  }
0x211: {  	[spmem:s1] =	stream.indirect.scatter.add.f32 [tilespmem:s8], [sflag:$0x2], $0x1, s20, s7, $0xb8;
	[tilespmem:$0x1580] =	vst v63  }
0x212: {  	_ =	swait.ge [sflag:s10], $0x50  }
0x213: {  	[sflag:s10] =	ssyncset.done $0x0  }
0x214: {  	s21 =	simm.s32 $0xC80;
	[sflag:s10] =	ssyncadd.s32 $0xFFFFFFB0  }
0x215: {  	[spmem:s1] =	stream.indirect.scatter.add.f32 [tilespmem:s8], [sflag:$0x1], $0x1, s21, s7, $0xb8;
	[tilespmem:$0x1580] =	vst v63  }
0x216: {  	_ =	swait.ge [sflag:s12], $0x50  }
0x217: {  	[sflag:s12] =	ssyncset.done $0x0  }
0x218: {  	s22 =	simm.s32 $0xD00;
	[sflag:s12] =	ssyncadd.s32 $0xFFFFFFB0  }
0x219: {  	[spmem:s1] =	stream.indirect.scatter.add.f32 [tilespmem:s8], [sflag:$0x2], $0x1, s22, s7, $0xb8;
	[tilespmem:$0x1580] =	vst v63  }
0x21a: {  	_ =	swait.ge [sflag:s10], $0x50  }
0x21b: {  	[sflag:s10] =	ssyncset.done $0x0  }
0x21c: {  	s23 =	simm.s32 $0xD80;
	[sflag:s10] =	ssyncadd.s32 $0xFFFFFFB0  }
0x21d: {  	[spmem:s1] =	stream.indirect.scatter.add.f32 [tilespmem:s8], [sflag:$0x1], $0x1, s23, s7, $0xb8;
	[tilespmem:$0x1580] =	vst v63  }
0x21e: {  	_ =	swait.ge [sflag:s12], $0x50  }
0x21f: {  	[sflag:s12] =	ssyncset.done $0x0  }
0x220: {  	s24 =	simm.s32 $0xE00;
	[sflag:s12] =	ssyncadd.s32 $0xFFFFFFB0  }
0x221: {  	[spmem:s1] =	stream.indirect.scatter.add.f32 [tilespmem:s8], [sflag:$0x2], $0x1, s24, s7, $0xb8;
	[tilespmem:$0x1580] =	vst v63  }
0x222: {  	_ =	swait.ge [sflag:s10], $0x50  }
0x223: {  	[sflag:s10] =	ssyncset.done $0x0  }
0x224: {  	s25 =	simm.s32 $0xE80;
	[sflag:s10] =	ssyncadd.s32 $0xFFFFFFB0  }
0x225: {  	[spmem:s1] =	stream.indirect.scatter.add.f32 [tilespmem:s8], [sflag:$0x1], $0x1, s25, s7, $0xb8;
	[tilespmem:$0x1580] =	vst v63  }
0x226: {  	_ =	swait.ge [sflag:s12], $0x50  }
0x227: {  	[sflag:s12] =	ssyncset.done $0x0  }
0x228: {  	s26 =	simm.s32 $0xF00;
	[sflag:s12] =	ssyncadd.s32 $0xFFFFFFB0  }
0x229: {  	[spmem:s1] =	stream.indirect.scatter.add.f32 [tilespmem:s8], [sflag:$0x2], $0x1, s26, s7, $0xb8;
	[tilespmem:$0x1580] =	vst v63  }
0x22a: {  	_ =	swait.ge [sflag:s10], $0x50  }
0x22b: {  	[sflag:s10] =	ssyncset.done $0x0  }
0x22c: {  	s28 =	simm.s32 $0xF80;
	[sflag:s10] =	ssyncadd.s32 $0xFFFFFFB0  }
0x22d: {  	[spmem:s1] =	stream.indirect.scatter.add.f32 [tilespmem:s8], [sflag:$0x1], $0x1, s28, s7, $0xb8;
	[tilespmem:$0x1580] =	vst v63  }
0x22e: {  	_ =	swait.ge [sflag:s12], $0x50  }
0x22f: {  	[sflag:s12] =	ssyncset.done $0x0  }
0x230: {  	s29 =	simm.s32 $0x1000;
	[sflag:s12] =	ssyncadd.s32 $0xFFFFFFB0  }
0x231: {  	[spmem:s1] =	stream.indirect.scatter.add.f32 [tilespmem:s8], [sflag:$0x2], $0x1, s29, s7, $0xb8;
	[tilespmem:$0x1580] =	vst v63  }
0x232: {  	_ =	swait.ge [sflag:s10], $0x50  }
0x233: {  	[sflag:s10] =	ssyncset.done $0x0  }
0x234: {  	s30 =	simm.s32 $0x1080;
	[sflag:s10] =	ssyncadd.s32 $0xFFFFFFB0  }
0x235: {  	[spmem:s1] =	stream.indirect.scatter.add.f32 [tilespmem:s8], [sflag:$0x1], $0x1, s30, s7, $0xb8;
	[tilespmem:$0x1580] =	vst v63  }
0x236: {  	_ =	swait.ge [sflag:s12], $0x50  }
0x237: {  	[sflag:s12] =	ssyncset.done $0x0  }
0x238: {  	s31 =	simm.s32 $0x1100;
	[sflag:s12] =	ssyncadd.s32 $0xFFFFFFB0  }
0x239: {  	[spmem:s1] =	stream.indirect.scatter.add.f32 [tilespmem:s8], [sflag:$0x2], $0x1, s31, s7, $0xb8;
	[tilespmem:$0x1580] =	vst v63  }
0x23a: {  	_ =	swait.ge [sflag:s10], $0x50  }
0x23b: {  	[sflag:s10] =	ssyncset.done $0x0  }
0x23c: {  	s23 =	simm.s32 $0x1180;
	[sflag:s10] =	ssyncadd.s32 $0xFFFFFFB0  }
0x23d: {  	[spmem:s1] =	stream.indirect.scatter.add.f32 [tilespmem:s8], [sflag:$0x1], $0x1, s23, s7, $0xb8;
	[tilespmem:$0x1580] =	vst v63  }
0x23e: {  	_ =	swait.ge [sflag:s12], $0x50  }
0x23f: {  	[sflag:s12] =	ssyncset.done $0x0  }
0x240: {  	[sflag:s12] =	ssyncadd.s32 $0xFFFFFFB0  }
0x241: {  	_ =	swait.ge [sflag:s10], $0x50  }
0x242: {  	[sflag:s10] =	ssyncset.done $0x0  }
0x243: {  	[sflag:s10] =	ssyncadd.s32 $0xFFFFFFB0  }
0x244: {  	[bflag:$0x0] =	sbarrier.arrive $0xFFFF  }
0x245: {  	s24 =	rddreg [dreg:$0xc]  }
0x246: {  	s28 =	stileid.u32;
	s25 =	rddreg [dreg:$0x9]  }
0x247: {  	s29 =	sshll.u32 s28, $0x6;
	s26 =	rddreg [dreg:$0xb]  }
0x248: {  	s0 =	sor.u32 $0x1C03, s29;
	s30 =	rddreg [dreg:$0xd]  }
0x249: {  	[dreg:$0xe] =	wrdreg s0;
	s2 =	sshrl.u32 s30, $0x3  }
0x24a: {  	[dreg:$0xf] =	wrdreg s2  }
0x24b: {  	[hbm:s25@s26], [sflag:s0] =	dma.strided [spmem:s2@s24], $0x50, s10, $0x10   }
0x24c: {  	s0 =	rddreg [dreg:$0x10]  }
0x24d: {  	s0 =	ssub.s32 $0x2, s0  }
0x24e: {  	s31 =	sshrl.u32 s0, $0x1  }
0x24f: {  	s9 =	ssub.s32 s0, s31  }
0x250: {  	s9 =	smax.u32 s9, $0x1  }
0x251: {  	p0 =	sne.s32 s9, $0x1  }
.Ltmp0:
0x252: {  	_ = 	snop;
	(pc) =	sbr.rel @!p0 .LBB2_2-.Ltmp0, $2  }
0x253: {  	_ =	sdelay $0x2  }
0x254: {  	s5 =	sadd.s32 $0xFFFFFFFF, s9  }
.LBB2_1:
0x255: {  	_ =	swait.ge [sflag:s4], $0x50  }
0x256: {  	[sflag:s4] =	ssyncset.done $0x0  }
0x257: {  	[sflag:s4] =	ssyncadd.s32 $0xFFFFFFB0  }
0x258: {  	[tilespmem:$0x280] =	vst v0  }
0x259: {  	[tilespmem:$0x540] =	vst v1  }
0x25a: {  	[tilespmem:$0x530] =	vst v1  }
0x25b: {  	[tilespmem:$0x520] =	vst v1  }
0x25c: {  	[tilespmem:$0x510] =	vst v1  }
0x25d: {  	[tilespmem:$0x500] =	vst v1  }
0x25e: {  	[tilespmem:$0x4F0] =	vst v0  }
0x25f: {  	[tilespmem:$0x4E0] =	vst v0  }
0x260: {  	[tilespmem:$0x4D0] =	vst v0  }
0x261: {  	[tilespmem:$0x4C0] =	vst v0  }
0x262: {  	[tilespmem:$0x4B0] =	vst v0  }
0x263: {  	[tilespmem:$0x4A0] =	vst v0  }
0x264: {  	[tilespmem:$0x490] =	vst v0  }
0x265: {  	[tilespmem:$0x480] =	vst v0  }
0x266: {  	[tilespmem:$0x470] =	vst v0  }
0x267: {  	[tilespmem:$0x460] =	vst v0  }
0x268: {  	[tilespmem:$0x450] =	vst v0  }
0x269: {  	[tilespmem:$0x440] =	vst v0  }
0x26a: {  	[tilespmem:$0x430] =	vst v0  }
0x26b: {  	[tilespmem:$0x420] =	vst v0  }
0x26c: {  	[tilespmem:$0x410] =	vst v0  }
0x26d: {  	[tilespmem:$0x400] =	vst v0  }
0x26e: {  	[tilespmem:$0x3F0] =	vst v0  }
0x26f: {  	[tilespmem:$0x3E0] =	vst v0  }
0x270: {  	[tilespmem:$0x3D0] =	vst v0  }
0x271: {  	[tilespmem:$0x3C0] =	vst v0  }
0x272: {  	[tilespmem:$0x3B0] =	vst v0  }
0x273: {  	[tilespmem:$0x3A0] =	vst v0  }
0x274: {  	[tilespmem:$0x390] =	vst v0  }
0x275: {  	[tilespmem:$0x380] =	vst v0  }
0x276: {  	[tilespmem:$0x370] =	vst v0  }
0x277: {  	[tilespmem:$0x360] =	vst v0  }
0x278: {  	[tilespmem:$0x350] =	vst v0  }
0x279: {  	[tilespmem:$0x340] =	vst v0  }
0x27a: {  	[tilespmem:$0x330] =	vst v0  }
0x27b: {  	[tilespmem:$0x320] =	vst v0  }
0x27c: {  	[tilespmem:$0x310] =	vst v0  }
0x27d: {  	[tilespmem:$0x300] =	vst v0  }
0x27e: {  	[tilespmem:$0x2F0] =	vst v0  }
0x27f: {  	[tilespmem:$0x2E0] =	vst v0  }
0x280: {  	[tilespmem:$0x2D0] =	vst v0  }
0x281: {  	[tilespmem:$0x2C0] =	vst v0  }
0x282: {  	[tilespmem:$0x2B0] =	vst v0  }
0x283: {  	s11 =	rddreg [dreg:$0xa];
	[tilespmem:$0x2A0] =	vst v0  }
0x284: {  	s13 =	rddreg [dreg:$0xd];
	[tilespmem:$0x290] =	vst v0  }
0x285: {  	[spmem:s13] =	stream.linear.scatter [tilespmem:s11], [sflag:$0x3], $0x280, $0x38;
	[tilespmem:$0x1580] =	vst v63  }
0x286: {  	_ =	swait.ge [sflag:s4], $0x280  }
0x287: {  	[sflag:s4] =	ssyncset.done $0x0  }
0x288: {  	[sflag:s4] =	ssyncadd.s32 $0xFFFFFD80  }
0x289: {  	[bflag:$0x0] =	sbarrier.arrive $0xFFFF  }
0x28a: {  	s2 =	simm.s32 $0x0;
	s0 =	simm.s32 $0x580;
	s28 =	rddreg [dreg:$0x4]  }
0x28b: {  	[tilespmem:s0], [sflag:$0x3] =	stream.linear.gather [hbm4b:s28+s2], $0xC80, $0x38;
	[tilespmem:$0x1580] =	vst v63  }
0x28c: {  	_ =	swait.ge [sflag:s4], $0xC80  }
0x28d: {  	[sflag:s4] =	ssyncset.done $0x0  }
0x28e: {  	[sflag:s4] =	ssyncadd.s32 $0xFFFFF380  }
0x28f: {  	[spmem:s1] =	stream.indirect.scatter.add.f32 [tilespmem:s8], [sflag:$0x1], $0x1, s0, s7, $0xb8;
	[tilespmem:$0x1580] =	vst v63  }
0x290: {  	s29 =	simm.s32 $0x600  }
0x291: {  	[spmem:s1] =	stream.indirect.scatter.add.f32 [tilespmem:s8], [sflag:$0x2], $0x1, s29, s7, $0xb8;
	[tilespmem:$0x1580] =	vst v63  }
0x292: {  	_ =	swait.ge [sflag:s10], $0x50  }
0x293: {  	[sflag:s10] =	ssyncset.done $0x0  }
0x294: {  	s30 =	simm.s32 $0x680;
	[sflag:s10] =	ssyncadd.s32 $0xFFFFFFB0  }
0x295: {  	[spmem:s1] =	stream.indirect.scatter.add.f32 [tilespmem:s8], [sflag:$0x1], $0x1, s30, s7, $0xb8;
	[tilespmem:$0x1580] =	vst v63  }
0x296: {  	_ =	swait.ge [sflag:s12], $0x50  }
0x297: {  	[sflag:s12] =	ssyncset.done $0x0  }
0x298: {  	s31 =	simm.s32 $0x700;
	[sflag:s12] =	ssyncadd.s32 $0xFFFFFFB0  }
0x299: {  	[spmem:s1] =	stream.indirect.scatter.add.f32 [tilespmem:s8], [sflag:$0x2], $0x1, s31, s7, $0xb8;
	[tilespmem:$0x1580] =	vst v63  }
0x29a: {  	_ =	swait.ge [sflag:s10], $0x50  }
0x29b: {  	[sflag:s10] =	ssyncset.done $0x0  }
0x29c: {  	s3 =	simm.s32 $0x780;
	[sflag:s10] =	ssyncadd.s32 $0xFFFFFFB0  }
0x29d: {  	[spmem:s1] =	stream.indirect.scatter.add.f32 [tilespmem:s8], [sflag:$0x1], $0x1, s3, s7, $0xb8;
	[tilespmem:$0x1580] =	vst v63  }
0x29e: {  	_ =	swait.ge [sflag:s12], $0x50  }
0x29f: {  	[sflag:s12] =	ssyncset.done $0x0  }
0x2a0: {  	s6 =	simm.s32 $0x800;
	[sflag:s12] =	ssyncadd.s32 $0xFFFFFFB0  }
0x2a1: {  	[spmem:s1] =	stream.indirect.scatter.add.f32 [tilespmem:s8], [sflag:$0x2], $0x1, s6, s7, $0xb8;
	[tilespmem:$0x1580] =	vst v63  }
0x2a2: {  	_ =	swait.ge [sflag:s10], $0x50  }
0x2a3: {  	[sflag:s10] =	ssyncset.done $0x0  }
0x2a4: {  	s11 =	simm.s32 $0x880;
	[sflag:s10] =	ssyncadd.s32 $0xFFFFFFB0  }
0x2a5: {  	[spmem:s1] =	stream.indirect.scatter.add.f32 [tilespmem:s8], [sflag:$0x1], $0x1, s11, s7, $0xb8;
	[tilespmem:$0x1580] =	vst v63  }
0x2a6: {  	_ =	swait.ge [sflag:s12], $0x50  }
0x2a7: {  	[sflag:s12] =	ssyncset.done $0x0  }
0x2a8: {  	s13 =	simm.s32 $0x900;
	[sflag:s12] =	ssyncadd.s32 $0xFFFFFFB0  }
0x2a9: {  	[spmem:s1] =	stream.indirect.scatter.add.f32 [tilespmem:s8], [sflag:$0x2], $0x1, s13, s7, $0xb8;
	[tilespmem:$0x1580] =	vst v63  }
0x2aa: {  	_ =	swait.ge [sflag:s10], $0x50  }
0x2ab: {  	[sflag:s10] =	ssyncset.done $0x0  }
0x2ac: {  	s14 =	simm.s32 $0x980;
	[sflag:s10] =	ssyncadd.s32 $0xFFFFFFB0  }
0x2ad: {  	[spmem:s1] =	stream.indirect.scatter.add.f32 [tilespmem:s8], [sflag:$0x1], $0x1, s14, s7, $0xb8;
	[tilespmem:$0x1580] =	vst v63  }
0x2ae: {  	_ =	swait.ge [sflag:s12], $0x50  }
0x2af: {  	[sflag:s12] =	ssyncset.done $0x0  }
0x2b0: {  	s15 =	simm.s32 $0xA00;
	[sflag:s12] =	ssyncadd.s32 $0xFFFFFFB0  }
0x2b1: {  	[spmem:s1] =	stream.indirect.scatter.add.f32 [tilespmem:s8], [sflag:$0x2], $0x1, s15, s7, $0xb8;
	[tilespmem:$0x1580] =	vst v63  }
0x2b2: {  	_ =	swait.ge [sflag:s10], $0x50  }
0x2b3: {  	[sflag:s10] =	ssyncset.done $0x0  }
0x2b4: {  	s17 =	simm.s32 $0xA80;
	[sflag:s10] =	ssyncadd.s32 $0xFFFFFFB0  }
0x2b5: {  	[spmem:s1] =	stream.indirect.scatter.add.f32 [tilespmem:s8], [sflag:$0x1], $0x1, s17, s7, $0xb8;
	[tilespmem:$0x1580] =	vst v63  }
0x2b6: {  	_ =	swait.ge [sflag:s12], $0x50  }
0x2b7: {  	[sflag:s12] =	ssyncset.done $0x0  }
0x2b8: {  	s18 =	simm.s32 $0xB00;
	[sflag:s12] =	ssyncadd.s32 $0xFFFFFFB0  }
0x2b9: {  	[spmem:s1] =	stream.indirect.scatter.add.f32 [tilespmem:s8], [sflag:$0x2], $0x1, s18, s7, $0xb8;
	[tilespmem:$0x1580] =	vst v63  }
0x2ba: {  	_ =	swait.ge [sflag:s10], $0x50  }
0x2bb: {  	[sflag:s10] =	ssyncset.done $0x0  }
0x2bc: {  	s19 =	simm.s32 $0xB80;
	[sflag:s10] =	ssyncadd.s32 $0xFFFFFFB0  }
0x2bd: {  	[spmem:s1] =	stream.indirect.scatter.add.f32 [tilespmem:s8], [sflag:$0x1], $0x1, s19, s7, $0xb8;
	[tilespmem:$0x1580] =	vst v63  }
0x2be: {  	_ =	swait.ge [sflag:s12], $0x50  }
0x2bf: {  	[sflag:s12] =	ssyncset.done $0x0  }
0x2c0: {  	s20 =	simm.s32 $0xC00;
	[sflag:s12] =	ssyncadd.s32 $0xFFFFFFB0  }
0x2c1: {  	[spmem:s1] =	stream.indirect.scatter.add.f32 [tilespmem:s8], [sflag:$0x2], $0x1, s20, s7, $0xb8;
	[tilespmem:$0x1580] =	vst v63  }
0x2c2: {  	_ =	swait.ge [sflag:s10], $0x50  }
0x2c3: {  	[sflag:s10] =	ssyncset.done $0x0  }
0x2c4: {  	s21 =	simm.s32 $0xC80;
	[sflag:s10] =	ssyncadd.s32 $0xFFFFFFB0  }
0x2c5: {  	[spmem:s1] =	stream.indirect.scatter.add.f32 [tilespmem:s8], [sflag:$0x1], $0x1, s21, s7, $0xb8;
	[tilespmem:$0x1580] =	vst v63  }
0x2c6: {  	_ =	swait.ge [sflag:s12], $0x50  }
0x2c7: {  	[sflag:s12] =	ssyncset.done $0x0  }
0x2c8: {  	s22 =	simm.s32 $0xD00;
	[sflag:s12] =	ssyncadd.s32 $0xFFFFFFB0  }
0x2c9: {  	[spmem:s1] =	stream.indirect.scatter.add.f32 [tilespmem:s8], [sflag:$0x2], $0x1, s22, s7, $0xb8;
	[tilespmem:$0x1580] =	vst v63  }
0x2ca: {  	_ =	swait.ge [sflag:s10], $0x50  }
0x2cb: {  	[sflag:s10] =	ssyncset.done $0x0  }
0x2cc: {  	s23 =	simm.s32 $0xD80;
	[sflag:s10] =	ssyncadd.s32 $0xFFFFFFB0  }
0x2cd: {  	[spmem:s1] =	stream.indirect.scatter.add.f32 [tilespmem:s8], [sflag:$0x1], $0x1, s23, s7, $0xb8;
	[tilespmem:$0x1580] =	vst v63  }
0x2ce: {  	_ =	swait.ge [sflag:s12], $0x50  }
0x2cf: {  	[sflag:s12] =	ssyncset.done $0x0  }
0x2d0: {  	s24 =	simm.s32 $0xE00;
	[sflag:s12] =	ssyncadd.s32 $0xFFFFFFB0  }
0x2d1: {  	[spmem:s1] =	stream.indirect.scatter.add.f32 [tilespmem:s8], [sflag:$0x2], $0x1, s24, s7, $0xb8;
	[tilespmem:$0x1580] =	vst v63  }
0x2d2: {  	_ =	swait.ge [sflag:s10], $0x50  }
0x2d3: {  	[sflag:s10] =	ssyncset.done $0x0  }
0x2d4: {  	s25 =	simm.s32 $0xE80;
	[sflag:s10] =	ssyncadd.s32 $0xFFFFFFB0  }
0x2d5: {  	[spmem:s1] =	stream.indirect.scatter.add.f32 [tilespmem:s8], [sflag:$0x1], $0x1, s25, s7, $0xb8;
	[tilespmem:$0x1580] =	vst v63  }
0x2d6: {  	_ =	swait.ge [sflag:s12], $0x50  }
0x2d7: {  	[sflag:s12] =	ssyncset.done $0x0  }
0x2d8: {  	s3 =	simm.s32 $0xF00;
	[sflag:s12] =	ssyncadd.s32 $0xFFFFFFB0  }
0x2d9: {  	[spmem:s1] =	stream.indirect.scatter.add.f32 [tilespmem:s8], [sflag:$0x2], $0x1, s3, s7, $0xb8;
	[tilespmem:$0x1580] =	vst v63  }
0x2da: {  	_ =	swait.ge [sflag:s10], $0x50  }
0x2db: {  	[sflag:s10] =	ssyncset.done $0x0  }
0x2dc: {  	s26 =	simm.s32 $0xF80;
	[sflag:s10] =	ssyncadd.s32 $0xFFFFFFB0  }
0x2dd: {  	[spmem:s1] =	stream.indirect.scatter.add.f32 [tilespmem:s8], [sflag:$0x1], $0x1, s26, s7, $0xb8;
	[tilespmem:$0x1580] =	vst v63  }
0x2de: {  	_ =	swait.ge [sflag:s12], $0x50  }
0x2df: {  	[sflag:s12] =	ssyncset.done $0x0  }
0x2e0: {  	s6 =	simm.s32 $0x1000;
	[sflag:s12] =	ssyncadd.s32 $0xFFFFFFB0  }
0x2e1: {  	[spmem:s1] =	stream.indirect.scatter.add.f32 [tilespmem:s8], [sflag:$0x2], $0x1, s6, s7, $0xb8;
	[tilespmem:$0x1580] =	vst v63  }
0x2e2: {  	_ =	swait.ge [sflag:s10], $0x50  }
0x2e3: {  	[sflag:s10] =	ssyncset.done $0x0  }
0x2e4: {  	s28 =	simm.s32 $0x1080;
	[sflag:s10] =	ssyncadd.s32 $0xFFFFFFB0  }
0x2e5: {  	[spmem:s1] =	stream.indirect.scatter.add.f32 [tilespmem:s8], [sflag:$0x1], $0x1, s28, s7, $0xb8;
	[tilespmem:$0x1580] =	vst v63  }
0x2e6: {  	_ =	swait.ge [sflag:s12], $0x50  }
0x2e7: {  	[sflag:s12] =	ssyncset.done $0x0  }
0x2e8: {  	s29 =	simm.s32 $0x1100;
	[sflag:s12] =	ssyncadd.s32 $0xFFFFFFB0  }
0x2e9: {  	[spmem:s1] =	stream.indirect.scatter.add.f32 [tilespmem:s8], [sflag:$0x2], $0x1, s29, s7, $0xb8;
	[tilespmem:$0x1580] =	vst v63  }
0x2ea: {  	_ =	swait.ge [sflag:s10], $0x50  }
0x2eb: {  	[sflag:s10] =	ssyncset.done $0x0  }
0x2ec: {  	s30 =	simm.s32 $0x1180;
	[sflag:s10] =	ssyncadd.s32 $0xFFFFFFB0  }
0x2ed: {  	[spmem:s1] =	stream.indirect.scatter.add.f32 [tilespmem:s8], [sflag:$0x1], $0x1, s30, s7, $0xb8;
	[tilespmem:$0x1580] =	vst v63  }
0x2ee: {  	_ =	swait.ge [sflag:s12], $0x50  }
0x2ef: {  	[sflag:s12] =	ssyncset.done $0x0  }
0x2f0: {  	[sflag:s12] =	ssyncadd.s32 $0xFFFFFFB0  }
0x2f1: {  	_ =	swait.ge [sflag:s10], $0x50  }
0x2f2: {  	[sflag:s10] =	ssyncset.done $0x0  }
0x2f3: {  	s15 =	simm.s32 $0x0;
	s31 =	rddreg [dreg:$0x5];
	[sflag:s10] =	ssyncadd.s32 $0xFFFFFFB0  }
0x2f4: {  	[tilespmem:s0], [sflag:$0x3] =	stream.linear.gather [hbm4b:s31+s15], $0xC80, $0x38;
	[tilespmem:$0x1580] =	vst v63  }
0x2f5: {  	_ =	swait.ge [sflag:s4], $0xC80  }
0x2f6: {  	[sflag:s4] =	ssyncset.done $0x0  }
0x2f7: {  	[sflag:s4] =	ssyncadd.s32 $0xFFFFF380  }
0x2f8: {  	[spmem:s1] =	stream.indirect.scatter.add.f32 [tilespmem:s8], [sflag:$0x1], $0x1, s0, s7, $0xb8;
	[tilespmem:$0x1580] =	vst v63  }
0x2f9: {  	s16 =	simm.s32 $0x600  }
0x2fa: {  	[spmem:s1] =	stream.indirect.scatter.add.f32 [tilespmem:s8], [sflag:$0x2], $0x1, s16, s7, $0xb8;
	[tilespmem:$0x1580] =	vst v63  }
0x2fb: {  	_ =	swait.ge [sflag:s10], $0x50  }
0x2fc: {  	[sflag:s10] =	ssyncset.done $0x0  }
0x2fd: {  	s9 =	simm.s32 $0x680;
	[sflag:s10] =	ssyncadd.s32 $0xFFFFFFB0  }
0x2fe: {  	[spmem:s1] =	stream.indirect.scatter.add.f32 [tilespmem:s8], [sflag:$0x1], $0x1, s9, s7, $0xb8;
	[tilespmem:$0x1580] =	vst v63  }
0x2ff: {  	_ =	swait.ge [sflag:s12], $0x50  }
0x300: {  	[sflag:s12] =	ssyncset.done $0x0  }
0x301: {  	s16 =	simm.s32 $0x700;
	[sflag:s12] =	ssyncadd.s32 $0xFFFFFFB0  }
0x302: {  	[spmem:s1] =	stream.indirect.scatter.add.f32 [tilespmem:s8], [sflag:$0x2], $0x1, s16, s7, $0xb8;
	[tilespmem:$0x1580] =	vst v63  }
0x303: {  	_ =	swait.ge [sflag:s10], $0x50  }
0x304: {  	[sflag:s10] =	ssyncset.done $0x0  }
0x305: {  	s17 =	simm.s32 $0x780;
	[sflag:s10] =	ssyncadd.s32 $0xFFFFFFB0  }
0x306: {  	[spmem:s1] =	stream.indirect.scatter.add.f32 [tilespmem:s8], [sflag:$0x1], $0x1, s17, s7, $0xb8;
	[tilespmem:$0x1580] =	vst v63  }
0x307: {  	_ =	swait.ge [sflag:s12], $0x50  }
0x308: {  	[sflag:s12] =	ssyncset.done $0x0  }
0x309: {  	s18 =	simm.s32 $0x800;
	[sflag:s12] =	ssyncadd.s32 $0xFFFFFFB0  }
0x30a: {  	[spmem:s1] =	stream.indirect.scatter.add.f32 [tilespmem:s8], [sflag:$0x2], $0x1, s18, s7, $0xb8;
	[tilespmem:$0x1580] =	vst v63  }
0x30b: {  	_ =	swait.ge [sflag:s10], $0x50  }
0x30c: {  	[sflag:s10] =	ssyncset.done $0x0  }
0x30d: {  	s19 =	simm.s32 $0x880;
	[sflag:s10] =	ssyncadd.s32 $0xFFFFFFB0  }
0x30e: {  	[spmem:s1] =	stream.indirect.scatter.add.f32 [tilespmem:s8], [sflag:$0x1], $0x1, s19, s7, $0xb8;
	[tilespmem:$0x1580] =	vst v63  }
0x30f: {  	_ =	swait.ge [sflag:s12], $0x50  }
0x310: {  	[sflag:s12] =	ssyncset.done $0x0  }
0x311: {  	s20 =	simm.s32 $0x900;
	[sflag:s12] =	ssyncadd.s32 $0xFFFFFFB0  }
0x312: {  	[spmem:s1] =	stream.indirect.scatter.add.f32 [tilespmem:s8], [sflag:$0x2], $0x1, s20, s7, $0xb8;
	[tilespmem:$0x1580] =	vst v63  }
0x313: {  	_ =	swait.ge [sflag:s10], $0x50  }
0x314: {  	[sflag:s10] =	ssyncset.done $0x0  }
0x315: {  	s21 =	simm.s32 $0x980;
	[sflag:s10] =	ssyncadd.s32 $0xFFFFFFB0  }
0x316: {  	[spmem:s1] =	stream.indirect.scatter.add.f32 [tilespmem:s8], [sflag:$0x1], $0x1, s21, s7, $0xb8;
	[tilespmem:$0x1580] =	vst v63  }
0x317: {  	_ =	swait.ge [sflag:s12], $0x50  }
0x318: {  	[sflag:s12] =	ssyncset.done $0x0  }
0x319: {  	s22 =	simm.s32 $0xA00;
	[sflag:s12] =	ssyncadd.s32 $0xFFFFFFB0  }
0x31a: {  	[spmem:s1] =	stream.indirect.scatter.add.f32 [tilespmem:s8], [sflag:$0x2], $0x1, s22, s7, $0xb8;
	[tilespmem:$0x1580] =	vst v63  }
0x31b: {  	_ =	swait.ge [sflag:s10], $0x50  }
0x31c: {  	[sflag:s10] =	ssyncset.done $0x0  }
0x31d: {  	s23 =	simm.s32 $0xA80;
	[sflag:s10] =	ssyncadd.s32 $0xFFFFFFB0  }
0x31e: {  	[spmem:s1] =	stream.indirect.scatter.add.f32 [tilespmem:s8], [sflag:$0x1], $0x1, s23, s7, $0xb8;
	[tilespmem:$0x1580] =	vst v63  }
0x31f: {  	_ =	swait.ge [sflag:s12], $0x50  }
0x320: {  	[sflag:s12] =	ssyncset.done $0x0  }
0x321: {  	s24 =	simm.s32 $0xB00;
	[sflag:s12] =	ssyncadd.s32 $0xFFFFFFB0  }
0x322: {  	[spmem:s1] =	stream.indirect.scatter.add.f32 [tilespmem:s8], [sflag:$0x2], $0x1, s24, s7, $0xb8;
	[tilespmem:$0x1580] =	vst v63  }
0x323: {  	_ =	swait.ge [sflag:s10], $0x50  }
0x324: {  	[sflag:s10] =	ssyncset.done $0x0  }
0x325: {  	s25 =	simm.s32 $0xB80;
	[sflag:s10] =	ssyncadd.s32 $0xFFFFFFB0  }
0x326: {  	[spmem:s1] =	stream.indirect.scatter.add.f32 [tilespmem:s8], [sflag:$0x1], $0x1, s25, s7, $0xb8;
	[tilespmem:$0x1580] =	vst v63  }
0x327: {  	_ =	swait.ge [sflag:s12], $0x50  }
0x328: {  	[sflag:s12] =	ssyncset.done $0x0  }
0x329: {  	s26 =	simm.s32 $0xC00;
	[sflag:s12] =	ssyncadd.s32 $0xFFFFFFB0  }
0x32a: {  	[spmem:s1] =	stream.indirect.scatter.add.f32 [tilespmem:s8], [sflag:$0x2], $0x1, s26, s7, $0xb8;
	[tilespmem:$0x1580] =	vst v63  }
0x32b: {  	_ =	swait.ge [sflag:s10], $0x50  }
0x32c: {  	[sflag:s10] =	ssyncset.done $0x0  }
0x32d: {  	s28 =	simm.s32 $0xC80;
	[sflag:s10] =	ssyncadd.s32 $0xFFFFFFB0  }
0x32e: {  	[spmem:s1] =	stream.indirect.scatter.add.f32 [tilespmem:s8], [sflag:$0x1], $0x1, s28, s7, $0xb8;
	[tilespmem:$0x1580] =	vst v63  }
0x32f: {  	_ =	swait.ge [sflag:s12], $0x50  }
0x330: {  	[sflag:s12] =	ssyncset.done $0x0  }
0x331: {  	s29 =	simm.s32 $0xD00;
	[sflag:s12] =	ssyncadd.s32 $0xFFFFFFB0  }
0x332: {  	[spmem:s1] =	stream.indirect.scatter.add.f32 [tilespmem:s8], [sflag:$0x2], $0x1, s29, s7, $0xb8;
	[tilespmem:$0x1580] =	vst v63  }
0x333: {  	_ =	swait.ge [sflag:s10], $0x50  }
0x334: {  	[sflag:s10] =	ssyncset.done $0x0  }
0x335: {  	s30 =	simm.s32 $0xD80;
	[sflag:s10] =	ssyncadd.s32 $0xFFFFFFB0  }
0x336: {  	[spmem:s1] =	stream.indirect.scatter.add.f32 [tilespmem:s8], [sflag:$0x1], $0x1, s30, s7, $0xb8;
	[tilespmem:$0x1580] =	vst v63  }
0x337: {  	_ =	swait.ge [sflag:s12], $0x50  }
0x338: {  	[sflag:s12] =	ssyncset.done $0x0  }
0x339: {  	s31 =	simm.s32 $0xE00;
	[sflag:s12] =	ssyncadd.s32 $0xFFFFFFB0  }
0x33a: {  	[spmem:s1] =	stream.indirect.scatter.add.f32 [tilespmem:s8], [sflag:$0x2], $0x1, s31, s7, $0xb8;
	[tilespmem:$0x1580] =	vst v63  }
0x33b: {  	_ =	swait.ge [sflag:s10], $0x50  }
0x33c: {  	[sflag:s10] =	ssyncset.done $0x0  }
0x33d: {  	s2 =	simm.s32 $0xE80;
	[sflag:s10] =	ssyncadd.s32 $0xFFFFFFB0  }
0x33e: {  	[spmem:s1] =	stream.indirect.scatter.add.f32 [tilespmem:s8], [sflag:$0x1], $0x1, s2, s7, $0xb8;
	[tilespmem:$0x1580] =	vst v63  }
0x33f: {  	_ =	swait.ge [sflag:s12], $0x50  }
0x340: {  	[sflag:s12] =	ssyncset.done $0x0  }
0x341: {  	s2 =	simm.s32 $0xF00;
	[sflag:s12] =	ssyncadd.s32 $0xFFFFFFB0  }
0x342: {  	[spmem:s1] =	stream.indirect.scatter.add.f32 [tilespmem:s8], [sflag:$0x2], $0x1, s2, s7, $0xb8;
	[tilespmem:$0x1580] =	vst v63  }
0x343: {  	_ =	swait.ge [sflag:s10], $0x50  }
0x344: {  	[sflag:s10] =	ssyncset.done $0x0  }
0x345: {  	s9 =	simm.s32 $0xF80;
	[sflag:s10] =	ssyncadd.s32 $0xFFFFFFB0  }
0x346: {  	[spmem:s1] =	stream.indirect.scatter.add.f32 [tilespmem:s8], [sflag:$0x1], $0x1, s9, s7, $0xb8;
	[tilespmem:$0x1580] =	vst v63  }
0x347: {  	_ =	swait.ge [sflag:s12], $0x50  }
0x348: {  	[sflag:s12] =	ssyncset.done $0x0  }
0x349: {  	s6 =	simm.s32 $0x1000;
	[sflag:s12] =	ssyncadd.s32 $0xFFFFFFB0  }
0x34a: {  	[spmem:s1] =	stream.indirect.scatter.add.f32 [tilespmem:s8], [sflag:$0x2], $0x1, s6, s7, $0xb8;
	[tilespmem:$0x1580] =	vst v63  }
0x34b: {  	_ =	swait.ge [sflag:s10], $0x50  }
0x34c: {  	[sflag:s10] =	ssyncset.done $0x0  }
0x34d: {  	s13 =	simm.s32 $0x1080;
	[sflag:s10] =	ssyncadd.s32 $0xFFFFFFB0  }
0x34e: {  	[spmem:s1] =	stream.indirect.scatter.add.f32 [tilespmem:s8], [sflag:$0x1], $0x1, s13, s7, $0xb8;
	[tilespmem:$0x1580] =	vst v63  }
0x34f: {  	_ =	swait.ge [sflag:s12], $0x50  }
0x350: {  	[sflag:s12] =	ssyncset.done $0x0  }
0x351: {  	s3 =	simm.s32 $0x1100;
	[sflag:s12] =	ssyncadd.s32 $0xFFFFFFB0  }
0x352: {  	[spmem:s1] =	stream.indirect.scatter.add.f32 [tilespmem:s8], [sflag:$0x2], $0x1, s3, s7, $0xb8;
	[tilespmem:$0x1580] =	vst v63  }
0x353: {  	_ =	swait.ge [sflag:s10], $0x50  }
0x354: {  	[sflag:s10] =	ssyncset.done $0x0  }
0x355: {  	s14 =	simm.s32 $0x1180;
	[sflag:s10] =	ssyncadd.s32 $0xFFFFFFB0  }
0x356: {  	[spmem:s1] =	stream.indirect.scatter.add.f32 [tilespmem:s8], [sflag:$0x1], $0x1, s14, s7, $0xb8;
	[tilespmem:$0x1580] =	vst v63  }
0x357: {  	_ =	swait.ge [sflag:s12], $0x50  }
0x358: {  	[sflag:s12] =	ssyncset.done $0x0  }
0x359: {  	[sflag:s12] =	ssyncadd.s32 $0xFFFFFFB0  }
0x35a: {  	_ =	swait.ge [sflag:s10], $0x50  }
0x35b: {  	[sflag:s10] =	ssyncset.done $0x0  }
0x35c: {  	s14 =	rddreg [dreg:$0x6];
	[sflag:s10] =	ssyncadd.s32 $0xFFFFFFB0  }
0x35d: {  	[tilespmem:s0], [sflag:$0x3] =	stream.linear.gather [hbm4b:s14+s15], $0xC80, $0x38;
	[tilespmem:$0x1580] =	vst v63  }
0x35e: {  	_ =	swait.ge [sflag:s4], $0xC80  }
0x35f: {  	[sflag:s4] =	ssyncset.done $0x0  }
0x360: {  	[sflag:s4] =	ssyncadd.s32 $0xFFFFF380  }
0x361: {  	[spmem:s1] =	stream.indirect.scatter.add.f32 [tilespmem:s8], [sflag:$0x1], $0x1, s0, s7, $0xb8;
	[tilespmem:$0x1580] =	vst v63  }
0x362: {  	s15 =	simm.s32 $0x600  }
0x363: {  	[spmem:s1] =	stream.indirect.scatter.add.f32 [tilespmem:s8], [sflag:$0x2], $0x1, s15, s7, $0xb8;
	[tilespmem:$0x1580] =	vst v63  }
0x364: {  	_ =	swait.ge [sflag:s10], $0x50  }
0x365: {  	[sflag:s10] =	ssyncset.done $0x0  }
0x366: {  	s15 =	simm.s32 $0x680;
	[sflag:s10] =	ssyncadd.s32 $0xFFFFFFB0  }
0x367: {  	[spmem:s1] =	stream.indirect.scatter.add.f32 [tilespmem:s8], [sflag:$0x1], $0x1, s15, s7, $0xb8;
	[tilespmem:$0x1580] =	vst v63  }
0x368: {  	_ =	swait.ge [sflag:s12], $0x50  }
0x369: {  	[sflag:s12] =	ssyncset.done $0x0  }
0x36a: {  	[sflag:s12] =	ssyncadd.s32 $0xFFFFFFB0  }
0x36b: {  	[spmem:s1] =	stream.indirect.scatter.add.f32 [tilespmem:s8], [sflag:$0x2], $0x1, s16, s7, $0xb8;
	[tilespmem:$0x1580] =	vst v63  }
0x36c: {  	_ =	swait.ge [sflag:s10], $0x50  }
0x36d: {  	[sflag:s10] =	ssyncset.done $0x0  }
0x36e: {  	[sflag:s10] =	ssyncadd.s32 $0xFFFFFFB0  }
0x36f: {  	[spmem:s1] =	stream.indirect.scatter.add.f32 [tilespmem:s8], [sflag:$0x1], $0x1, s17, s7, $0xb8;
	[tilespmem:$0x1580] =	vst v63  }
0x370: {  	_ =	swait.ge [sflag:s12], $0x50  }
0x371: {  	[sflag:s12] =	ssyncset.done $0x0  }
0x372: {  	[sflag:s12] =	ssyncadd.s32 $0xFFFFFFB0  }
0x373: {  	[spmem:s1] =	stream.indirect.scatter.add.f32 [tilespmem:s8], [sflag:$0x2], $0x1, s18, s7, $0xb8;
	[tilespmem:$0x1580] =	vst v63  }
0x374: {  	_ =	swait.ge [sflag:s10], $0x50  }
0x375: {  	[sflag:s10] =	ssyncset.done $0x0  }
0x376: {  	[sflag:s10] =	ssyncadd.s32 $0xFFFFFFB0  }
0x377: {  	[spmem:s1] =	stream.indirect.scatter.add.f32 [tilespmem:s8], [sflag:$0x1], $0x1, s19, s7, $0xb8;
	[tilespmem:$0x1580] =	vst v63  }
0x378: {  	_ =	swait.ge [sflag:s12], $0x50  }
0x379: {  	[sflag:s12] =	ssyncset.done $0x0  }
0x37a: {  	[sflag:s12] =	ssyncadd.s32 $0xFFFFFFB0  }
0x37b: {  	[spmem:s1] =	stream.indirect.scatter.add.f32 [tilespmem:s8], [sflag:$0x2], $0x1, s20, s7, $0xb8;
	[tilespmem:$0x1580] =	vst v63  }
0x37c: {  	_ =	swait.ge [sflag:s10], $0x50  }
0x37d: {  	[sflag:s10] =	ssyncset.done $0x0  }
0x37e: {  	[sflag:s10] =	ssyncadd.s32 $0xFFFFFFB0  }
0x37f: {  	[spmem:s1] =	stream.indirect.scatter.add.f32 [tilespmem:s8], [sflag:$0x1], $0x1, s21, s7, $0xb8;
	[tilespmem:$0x1580] =	vst v63  }
0x380: {  	_ =	swait.ge [sflag:s12], $0x50  }
0x381: {  	[sflag:s12] =	ssyncset.done $0x0  }
0x382: {  	[sflag:s12] =	ssyncadd.s32 $0xFFFFFFB0  }
0x383: {  	[spmem:s1] =	stream.indirect.scatter.add.f32 [tilespmem:s8], [sflag:$0x2], $0x1, s22, s7, $0xb8;
	[tilespmem:$0x1580] =	vst v63  }
0x384: {  	_ =	swait.ge [sflag:s10], $0x50  }
0x385: {  	[sflag:s10] =	ssyncset.done $0x0  }
0x386: {  	[sflag:s10] =	ssyncadd.s32 $0xFFFFFFB0  }
0x387: {  	[spmem:s1] =	stream.indirect.scatter.add.f32 [tilespmem:s8], [sflag:$0x1], $0x1, s23, s7, $0xb8;
	[tilespmem:$0x1580] =	vst v63  }
0x388: {  	_ =	swait.ge [sflag:s12], $0x50  }
0x389: {  	[sflag:s12] =	ssyncset.done $0x0  }
0x38a: {  	[sflag:s12] =	ssyncadd.s32 $0xFFFFFFB0  }
0x38b: {  	[spmem:s1] =	stream.indirect.scatter.add.f32 [tilespmem:s8], [sflag:$0x2], $0x1, s24, s7, $0xb8;
	[tilespmem:$0x1580] =	vst v63  }
0x38c: {  	_ =	swait.ge [sflag:s10], $0x50  }
0x38d: {  	[sflag:s10] =	ssyncset.done $0x0  }
0x38e: {  	[sflag:s10] =	ssyncadd.s32 $0xFFFFFFB0  }
0x38f: {  	[spmem:s1] =	stream.indirect.scatter.add.f32 [tilespmem:s8], [sflag:$0x1], $0x1, s25, s7, $0xb8;
	[tilespmem:$0x1580] =	vst v63  }
0x390: {  	_ =	swait.ge [sflag:s12], $0x50  }
0x391: {  	[sflag:s12] =	ssyncset.done $0x0  }
0x392: {  	[sflag:s12] =	ssyncadd.s32 $0xFFFFFFB0  }
0x393: {  	[spmem:s1] =	stream.indirect.scatter.add.f32 [tilespmem:s8], [sflag:$0x2], $0x1, s26, s7, $0xb8;
	[tilespmem:$0x1580] =	vst v63  }
0x394: {  	_ =	swait.ge [sflag:s10], $0x50  }
0x395: {  	[sflag:s10] =	ssyncset.done $0x0  }
0x396: {  	[sflag:s10] =	ssyncadd.s32 $0xFFFFFFB0  }
0x397: {  	[spmem:s1] =	stream.indirect.scatter.add.f32 [tilespmem:s8], [sflag:$0x1], $0x1, s28, s7, $0xb8;
	[tilespmem:$0x1580] =	vst v63  }
0x398: {  	_ =	swait.ge [sflag:s12], $0x50  }
0x399: {  	[sflag:s12] =	ssyncset.done $0x0  }
0x39a: {  	[sflag:s12] =	ssyncadd.s32 $0xFFFFFFB0  }
0x39b: {  	[spmem:s1] =	stream.indirect.scatter.add.f32 [tilespmem:s8], [sflag:$0x2], $0x1, s29, s7, $0xb8;
	[tilespmem:$0x1580] =	vst v63  }
0x39c: {  	_ =	swait.ge [sflag:s10], $0x50  }
0x39d: {  	[sflag:s10] =	ssyncset.done $0x0  }
0x39e: {  	[sflag:s10] =	ssyncadd.s32 $0xFFFFFFB0  }
0x39f: {  	[spmem:s1] =	stream.indirect.scatter.add.f32 [tilespmem:s8], [sflag:$0x1], $0x1, s30, s7, $0xb8;
	[tilespmem:$0x1580] =	vst v63  }
0x3a0: {  	_ =	swait.ge [sflag:s12], $0x50  }
0x3a1: {  	[sflag:s12] =	ssyncset.done $0x0  }
0x3a2: {  	[sflag:s12] =	ssyncadd.s32 $0xFFFFFFB0  }
0x3a3: {  	[spmem:s1] =	stream.indirect.scatter.add.f32 [tilespmem:s8], [sflag:$0x2], $0x1, s31, s7, $0xb8;
	[tilespmem:$0x1580] =	vst v63  }
0x3a4: {  	_ =	swait.ge [sflag:s10], $0x50  }
0x3a5: {  	[sflag:s10] =	ssyncset.done $0x0  }
0x3a6: {  	s15 =	simm.s32 $0xE80;
	[sflag:s10] =	ssyncadd.s32 $0xFFFFFFB0  }
0x3a7: {  	[spmem:s1] =	stream.indirect.scatter.add.f32 [tilespmem:s8], [sflag:$0x1], $0x1, s15, s7, $0xb8;
	[tilespmem:$0x1580] =	vst v63  }
0x3a8: {  	_ =	swait.ge [sflag:s12], $0x50  }
0x3a9: {  	[sflag:s12] =	ssyncset.done $0x0  }
0x3aa: {  	[sflag:s12] =	ssyncadd.s32 $0xFFFFFFB0  }
0x3ab: {  	[spmem:s1] =	stream.indirect.scatter.add.f32 [tilespmem:s8], [sflag:$0x2], $0x1, s2, s7, $0xb8;
	[tilespmem:$0x1580] =	vst v63  }
0x3ac: {  	_ =	swait.ge [sflag:s10], $0x50  }
0x3ad: {  	[sflag:s10] =	ssyncset.done $0x0  }
0x3ae: {  	[sflag:s10] =	ssyncadd.s32 $0xFFFFFFB0  }
0x3af: {  	[spmem:s1] =	stream.indirect.scatter.add.f32 [tilespmem:s8], [sflag:$0x1], $0x1, s9, s7, $0xb8;
	[tilespmem:$0x1580] =	vst v63  }
0x3b0: {  	_ =	swait.ge [sflag:s12], $0x50  }
0x3b1: {  	[sflag:s12] =	ssyncset.done $0x0  }
0x3b2: {  	s6 =	simm.s32 $0x1000;
	[sflag:s12] =	ssyncadd.s32 $0xFFFFFFB0  }
0x3b3: {  	[spmem:s1] =	stream.indirect.scatter.add.f32 [tilespmem:s8], [sflag:$0x2], $0x1, s6, s7, $0xb8;
	[tilespmem:$0x1580] =	vst v63  }
0x3b4: {  	_ =	swait.ge [sflag:s10], $0x50  }
0x3b5: {  	[sflag:s10] =	ssyncset.done $0x0  }
0x3b6: {  	s11 =	simm.s32 $0x1080;
	[sflag:s10] =	ssyncadd.s32 $0xFFFFFFB0  }
0x3b7: {  	[spmem:s1] =	stream.indirect.scatter.add.f32 [tilespmem:s8], [sflag:$0x1], $0x1, s11, s7, $0xb8;
	[tilespmem:$0x1580] =	vst v63  }
0x3b8: {  	_ =	swait.ge [sflag:s12], $0x50  }
0x3b9: {  	[sflag:s12] =	ssyncset.done $0x0  }
0x3ba: {  	s3 =	simm.s32 $0x1100;
	[sflag:s12] =	ssyncadd.s32 $0xFFFFFFB0  }
0x3bb: {  	[spmem:s1] =	stream.indirect.scatter.add.f32 [tilespmem:s8], [sflag:$0x2], $0x1, s3, s7, $0xb8;
	[tilespmem:$0x1580] =	vst v63  }
0x3bc: {  	_ =	swait.ge [sflag:s10], $0x50  }
0x3bd: {  	[sflag:s10] =	ssyncset.done $0x0  }
0x3be: {  	s13 =	simm.s32 $0x1180;
	[sflag:s10] =	ssyncadd.s32 $0xFFFFFFB0  }
0x3bf: {  	[spmem:s1] =	stream.indirect.scatter.add.f32 [tilespmem:s8], [sflag:$0x1], $0x1, s13, s7, $0xb8;
	[tilespmem:$0x1580] =	vst v63  }
0x3c0: {  	_ =	swait.ge [sflag:s12], $0x50  }
0x3c1: {  	[sflag:s12] =	ssyncset.done $0x0  }
0x3c2: {  	[sflag:s12] =	ssyncadd.s32 $0xFFFFFFB0  }
0x3c3: {  	_ =	swait.ge [sflag:s10], $0x50  }
0x3c4: {  	[sflag:s10] =	ssyncset.done $0x0  }
0x3c5: {  	s14 =	simm.s32 $0x0;
	s2 =	rddreg [dreg:$0x7];
	[sflag:s10] =	ssyncadd.s32 $0xFFFFFFB0  }
0x3c6: {  	[tilespmem:s0], [sflag:$0x3] =	stream.linear.gather [hbm4b:s2+s14], $0xC80, $0x38;
	[tilespmem:$0x1580] =	vst v63  }
0x3c7: {  	_ =	swait.ge [sflag:s4], $0xC80  }
0x3c8: {  	[sflag:s4] =	ssyncset.done $0x0  }
0x3c9: {  	[sflag:s4] =	ssyncadd.s32 $0xFFFFF380  }
0x3ca: {  	[spmem:s1] =	stream.indirect.scatter.add.f32 [tilespmem:s8], [sflag:$0x1], $0x1, s0, s7, $0xb8;
	[tilespmem:$0x1580] =	vst v63  }
0x3cb: {  	s11 =	simm.s32 $0x600  }
0x3cc: {  	[spmem:s1] =	stream.indirect.scatter.add.f32 [tilespmem:s8], [sflag:$0x2], $0x1, s11, s7, $0xb8;
	[tilespmem:$0x1580] =	vst v63  }
0x3cd: {  	_ =	swait.ge [sflag:s10], $0x50  }
0x3ce: {  	[sflag:s10] =	ssyncset.done $0x0  }
0x3cf: {  	s14 =	simm.s32 $0x680;
	[sflag:s10] =	ssyncadd.s32 $0xFFFFFFB0  }
0x3d0: {  	[spmem:s1] =	stream.indirect.scatter.add.f32 [tilespmem:s8], [sflag:$0x1], $0x1, s14, s7, $0xb8;
	[tilespmem:$0x1580] =	vst v63  }
0x3d1: {  	_ =	swait.ge [sflag:s12], $0x50  }
0x3d2: {  	[sflag:s12] =	ssyncset.done $0x0  }
0x3d3: {  	s16 =	simm.s32 $0x700;
	[sflag:s12] =	ssyncadd.s32 $0xFFFFFFB0  }
0x3d4: {  	[spmem:s1] =	stream.indirect.scatter.add.f32 [tilespmem:s8], [sflag:$0x2], $0x1, s16, s7, $0xb8;
	[tilespmem:$0x1580] =	vst v63  }
0x3d5: {  	_ =	swait.ge [sflag:s10], $0x50  }
0x3d6: {  	[sflag:s10] =	ssyncset.done $0x0  }
0x3d7: {  	s17 =	simm.s32 $0x780;
	[sflag:s10] =	ssyncadd.s32 $0xFFFFFFB0  }
0x3d8: {  	[spmem:s1] =	stream.indirect.scatter.add.f32 [tilespmem:s8], [sflag:$0x1], $0x1, s17, s7, $0xb8;
	[tilespmem:$0x1580] =	vst v63  }
0x3d9: {  	_ =	swait.ge [sflag:s12], $0x50  }
0x3da: {  	[sflag:s12] =	ssyncset.done $0x0  }
0x3db: {  	s18 =	simm.s32 $0x800;
	[sflag:s12] =	ssyncadd.s32 $0xFFFFFFB0  }
0x3dc: {  	[spmem:s1] =	stream.indirect.scatter.add.f32 [tilespmem:s8], [sflag:$0x2], $0x1, s18, s7, $0xb8;
	[tilespmem:$0x1580] =	vst v63  }
0x3dd: {  	_ =	swait.ge [sflag:s10], $0x50  }
0x3de: {  	[sflag:s10] =	ssyncset.done $0x0  }
0x3df: {  	s19 =	simm.s32 $0x880;
	[sflag:s10] =	ssyncadd.s32 $0xFFFFFFB0  }
0x3e0: {  	[spmem:s1] =	stream.indirect.scatter.add.f32 [tilespmem:s8], [sflag:$0x1], $0x1, s19, s7, $0xb8;
	[tilespmem:$0x1580] =	vst v63  }
0x3e1: {  	_ =	swait.ge [sflag:s12], $0x50  }
0x3e2: {  	[sflag:s12] =	ssyncset.done $0x0  }
0x3e3: {  	s20 =	simm.s32 $0x900;
	[sflag:s12] =	ssyncadd.s32 $0xFFFFFFB0  }
0x3e4: {  	[spmem:s1] =	stream.indirect.scatter.add.f32 [tilespmem:s8], [sflag:$0x2], $0x1, s20, s7, $0xb8;
	[tilespmem:$0x1580] =	vst v63  }
0x3e5: {  	_ =	swait.ge [sflag:s10], $0x50  }
0x3e6: {  	[sflag:s10] =	ssyncset.done $0x0  }
0x3e7: {  	s21 =	simm.s32 $0x980;
	[sflag:s10] =	ssyncadd.s32 $0xFFFFFFB0  }
0x3e8: {  	[spmem:s1] =	stream.indirect.scatter.add.f32 [tilespmem:s8], [sflag:$0x1], $0x1, s21, s7, $0xb8;
	[tilespmem:$0x1580] =	vst v63  }
0x3e9: {  	_ =	swait.ge [sflag:s12], $0x50  }
0x3ea: {  	[sflag:s12] =	ssyncset.done $0x0  }
0x3eb: {  	s22 =	simm.s32 $0xA00;
	[sflag:s12] =	ssyncadd.s32 $0xFFFFFFB0  }
0x3ec: {  	[spmem:s1] =	stream.indirect.scatter.add.f32 [tilespmem:s8], [sflag:$0x2], $0x1, s22, s7, $0xb8;
	[tilespmem:$0x1580] =	vst v63  }
0x3ed: {  	_ =	swait.ge [sflag:s10], $0x50  }
0x3ee: {  	[sflag:s10] =	ssyncset.done $0x0  }
0x3ef: {  	s23 =	simm.s32 $0xA80;
	[sflag:s10] =	ssyncadd.s32 $0xFFFFFFB0  }
0x3f0: {  	[spmem:s1] =	stream.indirect.scatter.add.f32 [tilespmem:s8], [sflag:$0x1], $0x1, s23, s7, $0xb8;
	[tilespmem:$0x1580] =	vst v63  }
0x3f1: {  	_ =	swait.ge [sflag:s12], $0x50  }
0x3f2: {  	[sflag:s12] =	ssyncset.done $0x0  }
0x3f3: {  	s24 =	simm.s32 $0xB00;
	[sflag:s12] =	ssyncadd.s32 $0xFFFFFFB0  }
0x3f4: {  	[spmem:s1] =	stream.indirect.scatter.add.f32 [tilespmem:s8], [sflag:$0x2], $0x1, s24, s7, $0xb8;
	[tilespmem:$0x1580] =	vst v63  }
0x3f5: {  	_ =	swait.ge [sflag:s10], $0x50  }
0x3f6: {  	[sflag:s10] =	ssyncset.done $0x0  }
0x3f7: {  	s25 =	simm.s32 $0xB80;
	[sflag:s10] =	ssyncadd.s32 $0xFFFFFFB0  }
0x3f8: {  	[spmem:s1] =	stream.indirect.scatter.add.f32 [tilespmem:s8], [sflag:$0x1], $0x1, s25, s7, $0xb8;
	[tilespmem:$0x1580] =	vst v63  }
0x3f9: {  	_ =	swait.ge [sflag:s12], $0x50  }
0x3fa: {  	[sflag:s12] =	ssyncset.done $0x0  }
0x3fb: {  	s26 =	simm.s32 $0xC00;
	[sflag:s12] =	ssyncadd.s32 $0xFFFFFFB0  }
0x3fc: {  	[spmem:s1] =	stream.indirect.scatter.add.f32 [tilespmem:s8], [sflag:$0x2], $0x1, s26, s7, $0xb8;
	[tilespmem:$0x1580] =	vst v63  }
0x3fd: {  	_ =	swait.ge [sflag:s10], $0x50  }
0x3fe: {  	[sflag:s10] =	ssyncset.done $0x0  }
0x3ff: {  	s28 =	simm.s32 $0xC80;
	[sflag:s10] =	ssyncadd.s32 $0xFFFFFFB0  }
0x400: {  	[spmem:s1] =	stream.indirect.scatter.add.f32 [tilespmem:s8], [sflag:$0x1], $0x1, s28, s7, $0xb8;
	[tilespmem:$0x1580] =	vst v63  }
0x401: {  	_ =	swait.ge [sflag:s12], $0x50  }
0x402: {  	[sflag:s12] =	ssyncset.done $0x0  }
0x403: {  	s29 =	simm.s32 $0xD00;
	[sflag:s12] =	ssyncadd.s32 $0xFFFFFFB0  }
0x404: {  	[spmem:s1] =	stream.indirect.scatter.add.f32 [tilespmem:s8], [sflag:$0x2], $0x1, s29, s7, $0xb8;
	[tilespmem:$0x1580] =	vst v63  }
0x405: {  	_ =	swait.ge [sflag:s10], $0x50  }
0x406: {  	[sflag:s10] =	ssyncset.done $0x0  }
0x407: {  	s30 =	simm.s32 $0xD80;
	[sflag:s10] =	ssyncadd.s32 $0xFFFFFFB0  }
0x408: {  	[spmem:s1] =	stream.indirect.scatter.add.f32 [tilespmem:s8], [sflag:$0x1], $0x1, s30, s7, $0xb8;
	[tilespmem:$0x1580] =	vst v63  }
0x409: {  	_ =	swait.ge [sflag:s12], $0x50  }
0x40a: {  	[sflag:s12] =	ssyncset.done $0x0  }
0x40b: {  	s31 =	simm.s32 $0xE00;
	[sflag:s12] =	ssyncadd.s32 $0xFFFFFFB0  }
0x40c: {  	[spmem:s1] =	stream.indirect.scatter.add.f32 [tilespmem:s8], [sflag:$0x2], $0x1, s31, s7, $0xb8;
	[tilespmem:$0x1580] =	vst v63  }
0x40d: {  	_ =	swait.ge [sflag:s10], $0x50  }
0x40e: {  	[sflag:s10] =	ssyncset.done $0x0  }
0x40f: {  	s15 =	simm.s32 $0xE80;
	[sflag:s10] =	ssyncadd.s32 $0xFFFFFFB0  }
0x410: {  	[spmem:s1] =	stream.indirect.scatter.add.f32 [tilespmem:s8], [sflag:$0x1], $0x1, s15, s7, $0xb8;
	[tilespmem:$0x1580] =	vst v63  }
0x411: {  	_ =	swait.ge [sflag:s12], $0x50  }
0x412: {  	[sflag:s12] =	ssyncset.done $0x0  }
0x413: {  	s31 =	simm.s32 $0xF00;
	[sflag:s12] =	ssyncadd.s32 $0xFFFFFFB0  }
0x414: {  	[spmem:s1] =	stream.indirect.scatter.add.f32 [tilespmem:s8], [sflag:$0x2], $0x1, s31, s7, $0xb8;
	[tilespmem:$0x1580] =	vst v63  }
0x415: {  	_ =	swait.ge [sflag:s10], $0x50  }
0x416: {  	[sflag:s10] =	ssyncset.done $0x0  }
0x417: {  	s9 =	simm.s32 $0xF80;
	[sflag:s10] =	ssyncadd.s32 $0xFFFFFFB0  }
0x418: {  	[spmem:s1] =	stream.indirect.scatter.add.f32 [tilespmem:s8], [sflag:$0x1], $0x1, s9, s7, $0xb8;
	[tilespmem:$0x1580] =	vst v63  }
0x419: {  	_ =	swait.ge [sflag:s12], $0x50  }
0x41a: {  	[sflag:s12] =	ssyncset.done $0x0  }
0x41b: {  	s6 =	simm.s32 $0x1000;
	[sflag:s12] =	ssyncadd.s32 $0xFFFFFFB0  }
0x41c: {  	[spmem:s1] =	stream.indirect.scatter.add.f32 [tilespmem:s8], [sflag:$0x2], $0x1, s6, s7, $0xb8;
	[tilespmem:$0x1580] =	vst v63  }
0x41d: {  	_ =	swait.ge [sflag:s10], $0x50  }
0x41e: {  	[sflag:s10] =	ssyncset.done $0x0  }
0x41f: {  	s11 =	simm.s32 $0x1080;
	[sflag:s10] =	ssyncadd.s32 $0xFFFFFFB0  }
0x420: {  	[spmem:s1] =	stream.indirect.scatter.add.f32 [tilespmem:s8], [sflag:$0x1], $0x1, s11, s7, $0xb8;
	[tilespmem:$0x1580] =	vst v63  }
0x421: {  	_ =	swait.ge [sflag:s12], $0x50  }
0x422: {  	[sflag:s12] =	ssyncset.done $0x0  }
0x423: {  	s3 =	simm.s32 $0x1100;
	[sflag:s12] =	ssyncadd.s32 $0xFFFFFFB0  }
0x424: {  	[spmem:s1] =	stream.indirect.scatter.add.f32 [tilespmem:s8], [sflag:$0x2], $0x1, s3, s7, $0xb8;
	[tilespmem:$0x1580] =	vst v63  }
0x425: {  	_ =	swait.ge [sflag:s10], $0x50  }
0x426: {  	[sflag:s10] =	ssyncset.done $0x0  }
0x427: {  	s11 =	simm.s32 $0x1180;
	[sflag:s10] =	ssyncadd.s32 $0xFFFFFFB0  }
0x428: {  	[spmem:s1] =	stream.indirect.scatter.add.f32 [tilespmem:s8], [sflag:$0x1], $0x1, s11, s7, $0xb8;
	[tilespmem:$0x1580] =	vst v63  }
0x429: {  	_ =	swait.ge [sflag:s12], $0x50  }
0x42a: {  	[sflag:s12] =	ssyncset.done $0x0  }
0x42b: {  	[sflag:s12] =	ssyncadd.s32 $0xFFFFFFB0  }
0x42c: {  	_ =	swait.ge [sflag:s10], $0x50  }
0x42d: {  	[sflag:s10] =	ssyncset.done $0x0  }
0x42e: {  	s13 =	simm.s32 $0x0;
	s11 =	rddreg [dreg:$0x8];
	[sflag:s10] =	ssyncadd.s32 $0xFFFFFFB0  }
0x42f: {  	[tilespmem:s0], [sflag:$0x3] =	stream.linear.gather [hbm4b:s11+s13], $0xC80, $0x38;
	[tilespmem:$0x1580] =	vst v63  }
0x430: {  	_ =	swait.ge [sflag:s4], $0xC80  }
0x431: {  	[sflag:s4] =	ssyncset.done $0x0  }
0x432: {  	[sflag:s4] =	ssyncadd.s32 $0xFFFFF380  }
0x433: {  	[spmem:s1] =	stream.indirect.scatter.add.f32 [tilespmem:s8], [sflag:$0x1], $0x1, s0, s7, $0xb8;
	[tilespmem:$0x1580] =	vst v63  }
0x434: {  	s11 =	simm.s32 $0x600  }
0x435: {  	[spmem:s1] =	stream.indirect.scatter.add.f32 [tilespmem:s8], [sflag:$0x2], $0x1, s11, s7, $0xb8;
	[tilespmem:$0x1580] =	vst v63  }
0x436: {  	_ =	swait.ge [sflag:s10], $0x50  }
0x437: {  	[sflag:s10] =	ssyncset.done $0x0  }
0x438: {  	s13 =	simm.s32 $0x680;
	[sflag:s10] =	ssyncadd.s32 $0xFFFFFFB0  }
0x439: {  	[spmem:s1] =	stream.indirect.scatter.add.f32 [tilespmem:s8], [sflag:$0x1], $0x1, s13, s7, $0xb8;
	[tilespmem:$0x1580] =	vst v63  }
0x43a: {  	_ =	swait.ge [sflag:s12], $0x50  }
0x43b: {  	[sflag:s12] =	ssyncset.done $0x0  }
0x43c: {  	s2 =	simm.s32 $0x700;
	[sflag:s12] =	ssyncadd.s32 $0xFFFFFFB0  }
0x43d: {  	[spmem:s1] =	stream.indirect.scatter.add.f32 [tilespmem:s8], [sflag:$0x2], $0x1, s2, s7, $0xb8;
	[tilespmem:$0x1580] =	vst v63  }
0x43e: {  	_ =	swait.ge [sflag:s10], $0x50  }
0x43f: {  	[sflag:s10] =	ssyncset.done $0x0  }
0x440: {  	s16 =	simm.s32 $0x780;
	[sflag:s10] =	ssyncadd.s32 $0xFFFFFFB0  }
0x441: {  	[spmem:s1] =	stream.indirect.scatter.add.f32 [tilespmem:s8], [sflag:$0x1], $0x1, s16, s7, $0xb8;
	[tilespmem:$0x1580] =	vst v63  }
0x442: {  	_ =	swait.ge [sflag:s12], $0x50  }
0x443: {  	[sflag:s12] =	ssyncset.done $0x0  }
0x444: {  	s17 =	simm.s32 $0x800;
	[sflag:s12] =	ssyncadd.s32 $0xFFFFFFB0  }
0x445: {  	[spmem:s1] =	stream.indirect.scatter.add.f32 [tilespmem:s8], [sflag:$0x2], $0x1, s17, s7, $0xb8;
	[tilespmem:$0x1580] =	vst v63  }
0x446: {  	_ =	swait.ge [sflag:s10], $0x50  }
0x447: {  	[sflag:s10] =	ssyncset.done $0x0  }
0x448: {  	s18 =	simm.s32 $0x880;
	[sflag:s10] =	ssyncadd.s32 $0xFFFFFFB0  }
0x449: {  	[spmem:s1] =	stream.indirect.scatter.add.f32 [tilespmem:s8], [sflag:$0x1], $0x1, s18, s7, $0xb8;
	[tilespmem:$0x1580] =	vst v63  }
0x44a: {  	_ =	swait.ge [sflag:s12], $0x50  }
0x44b: {  	[sflag:s12] =	ssyncset.done $0x0  }
0x44c: {  	s19 =	simm.s32 $0x900;
	[sflag:s12] =	ssyncadd.s32 $0xFFFFFFB0  }
0x44d: {  	[spmem:s1] =	stream.indirect.scatter.add.f32 [tilespmem:s8], [sflag:$0x2], $0x1, s19, s7, $0xb8;
	[tilespmem:$0x1580] =	vst v63  }
0x44e: {  	_ =	swait.ge [sflag:s10], $0x50  }
0x44f: {  	[sflag:s10] =	ssyncset.done $0x0  }
0x450: {  	s20 =	simm.s32 $0x980;
	[sflag:s10] =	ssyncadd.s32 $0xFFFFFFB0  }
0x451: {  	[spmem:s1] =	stream.indirect.scatter.add.f32 [tilespmem:s8], [sflag:$0x1], $0x1, s20, s7, $0xb8;
	[tilespmem:$0x1580] =	vst v63  }
0x452: {  	_ =	swait.ge [sflag:s12], $0x50  }
0x453: {  	[sflag:s12] =	ssyncset.done $0x0  }
0x454: {  	s21 =	simm.s32 $0xA00;
	[sflag:s12] =	ssyncadd.s32 $0xFFFFFFB0  }
0x455: {  	[spmem:s1] =	stream.indirect.scatter.add.f32 [tilespmem:s8], [sflag:$0x2], $0x1, s21, s7, $0xb8;
	[tilespmem:$0x1580] =	vst v63  }
0x456: {  	_ =	swait.ge [sflag:s10], $0x50  }
0x457: {  	[sflag:s10] =	ssyncset.done $0x0  }
0x458: {  	s22 =	simm.s32 $0xA80;
	[sflag:s10] =	ssyncadd.s32 $0xFFFFFFB0  }
0x459: {  	[spmem:s1] =	stream.indirect.scatter.add.f32 [tilespmem:s8], [sflag:$0x1], $0x1, s22, s7, $0xb8;
	[tilespmem:$0x1580] =	vst v63  }
0x45a: {  	_ =	swait.ge [sflag:s12], $0x50  }
0x45b: {  	[sflag:s12] =	ssyncset.done $0x0  }
0x45c: {  	s23 =	simm.s32 $0xB00;
	[sflag:s12] =	ssyncadd.s32 $0xFFFFFFB0  }
0x45d: {  	[spmem:s1] =	stream.indirect.scatter.add.f32 [tilespmem:s8], [sflag:$0x2], $0x1, s23, s7, $0xb8;
	[tilespmem:$0x1580] =	vst v63  }
0x45e: {  	_ =	swait.ge [sflag:s10], $0x50  }
0x45f: {  	[sflag:s10] =	ssyncset.done $0x0  }
0x460: {  	s24 =	simm.s32 $0xB80;
	[sflag:s10] =	ssyncadd.s32 $0xFFFFFFB0  }
0x461: {  	[spmem:s1] =	stream.indirect.scatter.add.f32 [tilespmem:s8], [sflag:$0x1], $0x1, s24, s7, $0xb8;
	[tilespmem:$0x1580] =	vst v63  }
0x462: {  	_ =	swait.ge [sflag:s12], $0x50  }
0x463: {  	[sflag:s12] =	ssyncset.done $0x0  }
0x464: {  	s25 =	simm.s32 $0xC00;
	[sflag:s12] =	ssyncadd.s32 $0xFFFFFFB0  }
0x465: {  	[spmem:s1] =	stream.indirect.scatter.add.f32 [tilespmem:s8], [sflag:$0x2], $0x1, s25, s7, $0xb8;
	[tilespmem:$0x1580] =	vst v63  }
0x466: {  	_ =	swait.ge [sflag:s10], $0x50  }
0x467: {  	[sflag:s10] =	ssyncset.done $0x0  }
0x468: {  	s26 =	simm.s32 $0xC80;
	[sflag:s10] =	ssyncadd.s32 $0xFFFFFFB0  }
0x469: {  	[spmem:s1] =	stream.indirect.scatter.add.f32 [tilespmem:s8], [sflag:$0x1], $0x1, s26, s7, $0xb8;
	[tilespmem:$0x1580] =	vst v63  }
0x46a: {  	_ =	swait.ge [sflag:s12], $0x50  }
0x46b: {  	[sflag:s12] =	ssyncset.done $0x0  }
0x46c: {  	s28 =	simm.s32 $0xD00;
	[sflag:s12] =	ssyncadd.s32 $0xFFFFFFB0  }
0x46d: {  	[spmem:s1] =	stream.indirect.scatter.add.f32 [tilespmem:s8], [sflag:$0x2], $0x1, s28, s7, $0xb8;
	[tilespmem:$0x1580] =	vst v63  }
0x46e: {  	_ =	swait.ge [sflag:s10], $0x50  }
0x46f: {  	[sflag:s10] =	ssyncset.done $0x0  }
0x470: {  	s29 =	simm.s32 $0xD80;
	[sflag:s10] =	ssyncadd.s32 $0xFFFFFFB0  }
0x471: {  	[spmem:s1] =	stream.indirect.scatter.add.f32 [tilespmem:s8], [sflag:$0x1], $0x1, s29, s7, $0xb8;
	[tilespmem:$0x1580] =	vst v63  }
0x472: {  	_ =	swait.ge [sflag:s12], $0x50  }
0x473: {  	[sflag:s12] =	ssyncset.done $0x0  }
0x474: {  	s30 =	simm.s32 $0xE00;
	[sflag:s12] =	ssyncadd.s32 $0xFFFFFFB0  }
0x475: {  	[spmem:s1] =	stream.indirect.scatter.add.f32 [tilespmem:s8], [sflag:$0x2], $0x1, s30, s7, $0xb8;
	[tilespmem:$0x1580] =	vst v63  }
0x476: {  	_ =	swait.ge [sflag:s10], $0x50  }
0x477: {  	[sflag:s10] =	ssyncset.done $0x0  }
0x478: {  	s14 =	simm.s32 $0xE80;
	[sflag:s10] =	ssyncadd.s32 $0xFFFFFFB0  }
0x479: {  	[spmem:s1] =	stream.indirect.scatter.add.f32 [tilespmem:s8], [sflag:$0x1], $0x1, s14, s7, $0xb8;
	[tilespmem:$0x1580] =	vst v63  }
0x47a: {  	_ =	swait.ge [sflag:s12], $0x50  }
0x47b: {  	[sflag:s12] =	ssyncset.done $0x0  }
0x47c: {  	s31 =	simm.s32 $0xF00;
	[sflag:s12] =	ssyncadd.s32 $0xFFFFFFB0  }
0x47d: {  	[spmem:s1] =	stream.indirect.scatter.add.f32 [tilespmem:s8], [sflag:$0x2], $0x1, s31, s7, $0xb8;
	[tilespmem:$0x1580] =	vst v63  }
0x47e: {  	_ =	swait.ge [sflag:s10], $0x50  }
0x47f: {  	[sflag:s10] =	ssyncset.done $0x0  }
0x480: {  	s15 =	simm.s32 $0xF80;
	[sflag:s10] =	ssyncadd.s32 $0xFFFFFFB0  }
0x481: {  	[spmem:s1] =	stream.indirect.scatter.add.f32 [tilespmem:s8], [sflag:$0x1], $0x1, s15, s7, $0xb8;
	[tilespmem:$0x1580] =	vst v63  }
0x482: {  	_ =	swait.ge [sflag:s12], $0x50  }
0x483: {  	[sflag:s12] =	ssyncset.done $0x0  }
0x484: {  	s9 =	simm.s32 $0x1000;
	[sflag:s12] =	ssyncadd.s32 $0xFFFFFFB0  }
0x485: {  	[spmem:s1] =	stream.indirect.scatter.add.f32 [tilespmem:s8], [sflag:$0x2], $0x1, s9, s7, $0xb8;
	[tilespmem:$0x1580] =	vst v63  }
0x486: {  	_ =	swait.ge [sflag:s10], $0x50  }
0x487: {  	[sflag:s10] =	ssyncset.done $0x0  }
0x488: {  	s25 =	simm.s32 $0x1080;
	[sflag:s10] =	ssyncadd.s32 $0xFFFFFFB0  }
0x489: {  	[spmem:s1] =	stream.indirect.scatter.add.f32 [tilespmem:s8], [sflag:$0x1], $0x1, s25, s7, $0xb8;
	[tilespmem:$0x1580] =	vst v63  }
0x48a: {  	_ =	swait.ge [sflag:s12], $0x50  }
0x48b: {  	[sflag:s12] =	ssyncset.done $0x0  }
0x48c: {  	s6 =	simm.s32 $0x1100;
	[sflag:s12] =	ssyncadd.s32 $0xFFFFFFB0  }
0x48d: {  	[spmem:s1] =	stream.indirect.scatter.add.f32 [tilespmem:s8], [sflag:$0x2], $0x1, s6, s7, $0xb8;
	[tilespmem:$0x1580] =	vst v63  }
0x48e: {  	_ =	swait.ge [sflag:s10], $0x50  }
0x48f: {  	[sflag:s10] =	ssyncset.done $0x0  }
0x490: {  	s3 =	simm.s32 $0x1180;
	[sflag:s10] =	ssyncadd.s32 $0xFFFFFFB0  }
0x491: {  	[spmem:s1] =	stream.indirect.scatter.add.f32 [tilespmem:s8], [sflag:$0x1], $0x1, s3, s7, $0xb8;
	[tilespmem:$0x1580] =	vst v63  }
0x492: {  	_ =	swait.ge [sflag:s12], $0x50  }
0x493: {  	[sflag:s12] =	ssyncset.done $0x0  }
0x494: {  	[sflag:s12] =	ssyncadd.s32 $0xFFFFFFB0  }
0x495: {  	_ =	swait.ge [sflag:s10], $0x50  }
0x496: {  	[sflag:s10] =	ssyncset.done $0x0  }
0x497: {  	[sflag:s10] =	ssyncadd.s32 $0xFFFFFFB0  }
0x498: {  	[bflag:$0x0] =	sbarrier.arrive $0xFFFF  }
0x499: {  	p0 =	sne.s32 s5, $0x1;
	s26 =	rddreg [dreg:$0xc]  }
.Ltmp1:
0x49a: {  	s28 =	rddreg [dreg:$0x9];
	(pc) =	sbr.rel @p0 .LBB2_1-.Ltmp1, $4  }
0x49b: {  	s29 =	rddreg [dreg:$0xb]  }
0x49c: {  	s30 =	rddreg [dreg:$0xe]  }
0x49d: {  	s5 =	sadd.s32 $0xFFFFFFFF, s5;
	s31 =	rddreg [dreg:$0xf]  }
0x49e: {  	[hbm:s28@s29], [sflag:s30] =	dma.strided [spmem:s31@s26], $0x50, s10, $0x10   }
.LBB2_2:
0x49f: {  	_ =	swait.ge [sflag:s4], $0x50  }
0x4a0: {  	[sflag:s4] =	ssyncset.done $0x0  }
0x4a1: {  	[sflag:s4] =	ssyncadd.s32 $0xFFFFFFB0  }
0x4a2: {  	_ =	sfence.sel $0x180000  }
0x4a3: {  	[bflag:$0x0] =	sbarrier.arrive $0xFFFF  }
0x4a4: {  	_ =	strace $0x90000047  }
0x4a5: {  	s0 =	stileid.u32;
	[bflag:$0x2] =	sbarrier.arrive $0xFFFF  }
0x4a6: {  	p0 =	sne.s32 s0, $0x0;
	s0 =	rddreg [dreg:$0x3]  }
0x4a7: {  	s0 =	sadd.s32 @!p0 $0x100000, s0  }
0x4a8: {  	[sflag:s0] =	ssyncadd.tile.s32 @!p0 $0x1;
	_ =	shalt  }
.Lfunc_end2:
_tile_overlayer_lowered:
.L_overlay_start_2:
0x4a9: {  	(tag) =	ssettag $0x2  }
0x4aa: {  	s0 =	rddreg [dreg:$0x0];
	s2 =	stileid.u32  }
0x4ab: {  	s1 =	rddreg [dreg:$0x1];
	p0 =	sne.s32 s2, $0x0  }
0x4ac: {  	s3 =	rddreg [dreg:$0x2];
	[bflag:$0x3] =	sbarrier.arrive $0xFFFF;
	s2 =	simm.s32 @!p0 $0x1C03  }
0x4ad: {  	[timem:s3], [sflag:s2] =	dma.local @!p0 [hbm:s0], s1  }
0x4ae: {  	s0 =	simm.s32 @!p0 $0x3  }
0x4af: {  	_ =	swait.ge @!p0 [sflag:s0], s1  }
0x4b0: {  	s1 =	ssub.s32 @!p0 $0x0, s1;
	[sflag:s0] =	ssyncset.done @!p0 $0x0  }
0x4b1: {  	[sflag:s0] =	ssyncadd.s32 @!p0 s1  }
0x4b2: {  	[bflag:$0x3] =	sbarrier.arrive $0xFFFF  }
0x4b3: {  	_ =	shalt  }

</sc_bundles>
